<compile_context>
chip_gen: v7x
topology: tpu7x:2x2x1
jax: 0.10.2.dev20260603
libtpu: 0.0.44.dev20260713+nightly
codegen_flags: <defaults>
</compile_context>

<pallas_src>
import jax
import jax.numpy as jnp
from jax import lax
from jax.experimental import pallas as pl
from jax.experimental.pallas import tpu as pltpu
from jax.experimental.pallas import tpu_sc as plsc

N = 10000
E = 320000
D = 128
C = 64
NP = 10240
STRIPE = NP // 16
RB = 512
GRID = NP // RB

DEG_CH = 10000
DEG_PER_W = E // 32
MSG_CH = 176
MSG_NCH = 58
EPAD = 2 * 16 * MSG_NCH * MSG_CH


def _sc_mesh():
    return plsc.VectorSubcoreMesh(core_axis_name="c", subcore_axis_name="s")


def _deg_body(dst_hbm, ones_hbm, zrow_hbm, out_hbm, idx_v, ones_v, deg_s):
    c = lax.axis_index("c")
    s = lax.axis_index("s")
    pltpu.sync_copy(zrow_hbm, deg_s.at[pl.ds(s * STRIPE, STRIPE)])
    pltpu.sync_copy(ones_hbm, ones_v)
    plsc.subcore_barrier()
    base = (s * 2 + c) * DEG_PER_W
    for k in range(DEG_PER_W // DEG_CH):
        pltpu.sync_copy(dst_hbm.at[pl.ds(base + k * DEG_CH, DEG_CH)], idx_v)
        pltpu.sync_copy(ones_v, deg_s.at[idx_v], add=True)
    plsc.subcore_barrier()
    pltpu.sync_copy(deg_s.at[pl.ds(s * STRIPE, STRIPE)],
                    out_hbm.at[c, pl.ds(s * STRIPE, STRIPE)])


def _deg_call(dst, ones_ch, zrow):
    f = pl.kernel(
        _deg_body,
        out_type=jax.ShapeDtypeStruct((2, NP), jnp.float32),
        mesh=_sc_mesh(),
        scratch_types=[
            pltpu.VMEM((DEG_CH,), jnp.int32),
            pltpu.VMEM((DEG_CH,), jnp.float32),
            pltpu.VMEM_SHARED((NP,), jnp.float32),
        ],
    )
    return f(dst, ones_ch, zrow)


def _msg_body(y_hbm, src_hbm, dst_hbm, zblk_hbm, out_hbm,
              isrc0, idst0, isrc1, idst1, rows0, rows1, acc_s,
              sem0, sem1, sscat0, sscat1, semz):
    c = lax.axis_index("c")
    s = lax.axis_index("s")
    zcp = pltpu.async_copy(zblk_hbm, acc_s.at[pl.ds(s * STRIPE, STRIPE), :],
                           semz)
    ebase = (c * 16 + s) * (MSG_NCH * MSG_CH)

    def load_idx(k, isrc, idst):
        off = ebase + k * MSG_CH
        pltpu.sync_copy(src_hbm.at[pl.ds(off, MSG_CH)], isrc)
        pltpu.sync_copy(dst_hbm.at[pl.ds(off, MSG_CH)], idst)

    def issue(isrc, rows, sem):
        pltpu.async_copy(y_hbm.at[isrc], rows, sem)

    def wait_g(isrc, rows, sem):
        pltpu.make_async_copy(y_hbm.at[isrc], rows, sem).wait()

    def scat(idst, rows, sem):
        pltpu.async_copy(rows, acc_s.at[idst], sem, add=True)

    def wait_s(idst, rows, sem):
        pltpu.make_async_copy(rows, acc_s.at[idst], sem).wait()

    load_idx(0, isrc0, idst0)
    issue(isrc0, rows0, sem0)
    load_idx(1, isrc1, idst1)
    issue(isrc1, rows1, sem1)
    zcp.wait()
    plsc.subcore_barrier()

    def pair(j, carry):
        a = 2 * j
        wait_g(isrc0, rows0, sem0)
        scat(idst0, rows0, sscat0)
        wait_g(isrc1, rows1, sem1)
        scat(idst1, rows1, sscat1)
        wait_s(idst0, rows0, sscat0)

        @pl.when(a + 2 < MSG_NCH)
        def _():
            load_idx(a + 2, isrc0, idst0)
            issue(isrc0, rows0, sem0)

        wait_s(idst1, rows1, sscat1)

        @pl.when(a + 3 < MSG_NCH)
        def _():
            load_idx(a + 3, isrc1, idst1)
            issue(isrc1, rows1, sem1)

        return carry

    lax.fori_loop(0, MSG_NCH // 2, pair, 0)
    plsc.subcore_barrier()
    pltpu.sync_copy(acc_s.at[pl.ds(s * STRIPE, STRIPE), :],
                    out_hbm.at[c, pl.ds(s * STRIPE, STRIPE), :])


def _msg_call(y, src, dst, zblk):
    f = pl.kernel(
        _msg_body,
        out_type=jax.ShapeDtypeStruct((2, NP, D), jnp.float32),
        mesh=_sc_mesh(),
        scratch_types=[
            pltpu.VMEM((MSG_CH,), jnp.int32),
            pltpu.VMEM((MSG_CH,), jnp.int32),
            pltpu.VMEM((MSG_CH,), jnp.int32),
            pltpu.VMEM((MSG_CH,), jnp.int32),
            pltpu.VMEM((MSG_CH, D), jnp.float32),
            pltpu.VMEM((MSG_CH, D), jnp.float32),
            pltpu.VMEM_SHARED((NP, D), jnp.float32),
            pltpu.SemaphoreType.DMA,
            pltpu.SemaphoreType.DMA,
            pltpu.SemaphoreType.DMA,
            pltpu.SemaphoreType.DMA,
            pltpu.SemaphoreType.DMA,
        ],
    )
    return f(y, src, dst, zblk)


def _tc1_body(x_ref, w_ref, dega_ref, degb_ref, y_ref):
    xw = jnp.dot(x_ref[...], w_ref[...], preferred_element_type=jnp.float32)
    deg = 1.0 + (dega_ref[...] + degb_ref[...]).reshape(RB)
    dinv = lax.rsqrt(deg)
    y_ref[...] = xw * dinv[:, None]


def _tc1_call(xp, W1, dega, degb):
    return pl.pallas_call(
        _tc1_body,
        grid=(GRID,),
        in_specs=[
            pl.BlockSpec((RB, D), lambda i: (i, 0)),
            pl.BlockSpec((D, D), lambda i: (0, 0)),
            pl.BlockSpec((1, 1, RB), lambda i: (i, 0, 0)),
            pl.BlockSpec((1, 1, RB), lambda i: (i, 0, 0)),
        ],
        out_specs=pl.BlockSpec((RB, D), lambda i: (i, 0)),
        out_shape=jax.ShapeDtypeStruct((NP, D), jnp.float32),
    )(xp, W1, dega, degb)


def _tc2_body(acc_ref, y_ref, x_ref, dega_ref, degb_ref, b1_ref, g_ref,
              be_ref, wfc_ref, bfc_ref, o_ref):
    acc = acc_ref[0] + acc_ref[1] + y_ref[...]
    deg = 1.0 + (dega_ref[...] + degb_ref[...]).reshape(RB)
    dinv = lax.rsqrt(deg)
    x = x_ref[...]
    h = b1_ref[...] + acc * dinv[:, None]
    h = jnp.maximum(h, 0.0) * x
    mean = jnp.mean(h, axis=-1, keepdims=True)
    var = jnp.mean((h - mean) ** 2, axis=-1, keepdims=True)
    h = (h - mean) * lax.rsqrt(var + 1e-5) * g_ref[...] + be_ref[...]
    h = h + x
    o_ref[...] = jnp.dot(h, wfc_ref[...],
                         preferred_element_type=jnp.float32) + bfc_ref[...]


def _tc2_call(acc2, y2, xp, dega, degb, b1, g, be, Wfc, bfc):
    return pl.pallas_call(
        _tc2_body,
        grid=(GRID,),
        in_specs=[
            pl.BlockSpec((2, RB, D), lambda i: (0, i, 0)),
            pl.BlockSpec((RB, D), lambda i: (i, 0)),
            pl.BlockSpec((RB, D), lambda i: (i, 0)),
            pl.BlockSpec((1, 1, RB), lambda i: (i, 0, 0)),
            pl.BlockSpec((1, 1, RB), lambda i: (i, 0, 0)),
            pl.BlockSpec((1, D), lambda i: (0, 0)),
            pl.BlockSpec((1, D), lambda i: (0, 0)),
            pl.BlockSpec((1, D), lambda i: (0, 0)),
            pl.BlockSpec((D, C), lambda i: (0, 0)),
            pl.BlockSpec((1, C), lambda i: (0, 0)),
        ],
        out_specs=pl.BlockSpec((RB, C), lambda i: (i, 0)),
        out_shape=jax.ShapeDtypeStruct((N, C), jnp.float32),
    )(acc2, y2, xp, dega, degb, b1, g, be, Wfc, bfc)


def kernel(x, edge_index, W1, b1, ln_gamma, ln_beta, Wfc, bfc):
    src = edge_index[0]
    dst = edge_index[1]
    ones_ch = jnp.ones((DEG_CH,), jnp.float32)
    zrow = jnp.zeros((STRIPE,), jnp.float32)
    zblk = jnp.zeros((STRIPE, D), jnp.float32)

    npad = EPAD - E
    pad_ids = jax.lax.iota(jnp.int32, npad)
    src_p = jnp.concatenate([src, pad_ids % N])
    dst_p = jnp.concatenate([dst, N + pad_ids % (NP - N)])

    deg2 = _deg_call(dst, ones_ch, zrow)
    dega = deg2[0].reshape(GRID, 1, RB)
    degb = deg2[1].reshape(GRID, 1, RB)
    y = _tc1_call(x, W1, dega, degb)
    acc2 = _msg_call(y, src_p, dst_p, zblk)
    out = _tc2_call(acc2, y, x, dega, degb,
                    b1.reshape(1, D), ln_gamma.reshape(1, D),
                    ln_beta.reshape(1, D), Wfc, bfc.reshape(1, C))
    return out

# --- scband reference (transcript-rebuilt; emitter-appended) ---
"""Pipeline reference for scband-gcnn-prod-res-3324304687694 (READ-ONLY COPY).

The authoritative reference and input builder live on the scoring server;
editing this copy changes nothing except your own understanding.
"""

import jax, jax.numpy as jnp
import numpy as np

N = 10000
E = 320000
D = 128
C = 64


def setup_inputs(seed: int = 0) -> dict:
    key = jax.random.key(seed)
    ks = jax.random.split(key, 8)
    x = jax.random.normal(ks[0], (N, D), dtype=jnp.float32)
    edge_index = jax.random.randint(ks[1], (2, E), 0, N, dtype=jnp.int32)
    # GCNConv(in_channels=D, out_channels=D) parameters
    W1 = jax.random.normal(ks[2], (D, D), dtype=jnp.float32) * (1.0 / np.sqrt(D))
    b1 = jnp.zeros((D,), dtype=jnp.float32)
    # LayerNorm(D) parameters
    ln_gamma = jnp.ones((D,), dtype=jnp.float32)
    ln_beta = jnp.zeros((D,), dtype=jnp.float32)
    # Linear(D, C) parameters
    Wfc = jax.random.normal(ks[3], (D, C), dtype=jnp.float32) * (1.0 / np.sqrt(D))
    bfc = jnp.zeros((C,), dtype=jnp.float32)
    return {"x": x, "edge_index": edge_index, "W1": W1, "b1": b1,
            "ln_gamma": ln_gamma, "ln_beta": ln_beta, "Wfc": Wfc, "bfc": bfc}


def _gcn_conv(x, edge_index, W, b):
    # PyG GCNConv: add self-loops, symmetric normalization D^-1/2 (A+I) D^-1/2 x W + b
    n = x.shape[0]
    loop = jnp.arange(n, dtype=edge_index.dtype)
    src = jnp.concatenate([edge_index[0], loop])
    dst = jnp.concatenate([edge_index[1], loop])
    deg = jnp.zeros((n,), dtype=x.dtype).at[dst].add(1.0)
    deg_inv_sqrt = jnp.where(deg > 0, 1.0 / jnp.sqrt(deg), 0.0)
    norm = deg_inv_sqrt[src] * deg_inv_sqrt[dst]
    xw = x @ W
    msg = xw[src] * norm[:, None]
    out = jax.ops.segment_sum(msg, dst, num_segments=n)
    return out + b


def _layer_norm(h, gamma, beta, eps=1e-5):
    mean = jnp.mean(h, axis=-1, keepdims=True)
    var = jnp.mean((h - mean) ** 2, axis=-1, keepdims=True)
    return (h - mean) / jnp.sqrt(var + eps) * gamma + beta


def reference(x, edge_index, W1, b1, ln_gamma, ln_beta, Wfc, bfc):
    residual = x
    h = _gcn_conv(x, edge_index, W1, b1)
    h = jax.nn.relu(h)
    # dropout_p = 0.0 -> identity
    h = h * residual
    h = _layer_norm(h, ln_gamma, ln_beta)
    h = h + residual
    out = h @ Wfc + bfc
    return out

if __name__ == "__main__":
    import jax
    _d = setup_inputs()
    print(jax.jit(kernel)(*tuple(_d.values())))

</pallas_src>

<mosaic_0001>
#map = affine_map<(d0, d1) -> (0)>
#map1 = affine_map<(d0, d1) -> (0, 0)>
module attributes {stable_mosaic.version = 14 : i64} {
  func.func @_deg_body(%arg0: i32, %arg1: i32, %arg2: memref<320000xi32, #tpu.memory_space<hbm>>, %arg3: memref<10000xf32, #tpu.memory_space<hbm>>, %arg4: memref<640xf32, #tpu.memory_space<hbm>>, %arg5: memref<2x10240xf32, #tpu.memory_space<hbm>>, %arg6: memref<10000xi32, #tpu.memory_space<vmem>>, %arg7: memref<10000xf32, #tpu.memory_space<vmem>>, %arg8: memref<10240xf32, #tpu.memory_space<vmem_shared>>) attributes {dimension_semantics = [#tpu.dimension_semantics<core_parallel>, #tpu.dimension_semantics<subcore_parallel>], iteration_bounds = array<i64: 2, 16>, scalar_prefetch = 0 : i64, scratch_operands = 3 : i64, tpu.core_type = #tpu.core_type<sc_vector_subcore>, window_params = [{transform_indices = #map}, {transform_indices = #map}, {transform_indices = #map}, {transform_indices = #map1}]} {
    %mul3A = arith.constant 640 : i32
    %mul3A_0 = arith.muli %arg1, %mul3A : i32
    "tpu.region"() ({
      %run_scoped3A = tpu.sem_alloc : memref<!tpu.dma_semaphore, #tpu.memory_space<semaphore_mem>>
      %dma_start3A = tpu.memref_slice %arg8[%mul3A_0] : memref<10240xf32, #tpu.memory_space<vmem_shared>> -> memref<640xf32, #tpu.memory_space<vmem_shared>>
      tpu.enqueue_dma source(%arg4 : memref<640xf32, #tpu.memory_space<hbm>>) target(%dma_start3A : memref<640xf32, #tpu.memory_space<vmem_shared>>) target_semaphore(%run_scoped3A : memref<!tpu.dma_semaphore, #tpu.memory_space<semaphore_mem>>)
      %dma_wait3A = tpu.memref_slice %arg8[%mul3A_0] : memref<10240xf32, #tpu.memory_space<vmem_shared>> -> memref<640xf32, #tpu.memory_space<vmem_shared>>
      tpu.wait_dma2 semaphore(%run_scoped3A : memref<!tpu.dma_semaphore, #tpu.memory_space<semaphore_mem>>) src(%arg4 : memref<640xf32, #tpu.memory_space<hbm>>) dst(%dma_wait3A : memref<640xf32, #tpu.memory_space<vmem_shared>>)
      tpu.yield
    }) : () -> ()
    "tpu.region"() ({
      %run_scoped3A = tpu.sem_alloc : memref<!tpu.dma_semaphore, #tpu.memory_space<semaphore_mem>>
      tpu.enqueue_dma source(%arg3 : memref<10000xf32, #tpu.memory_space<hbm>>) target(%arg7 : memref<10000xf32, #tpu.memory_space<vmem>>) target_semaphore(%run_scoped3A : memref<!tpu.dma_semaphore, #tpu.memory_space<semaphore_mem>>)
      tpu.wait_dma2 semaphore(%run_scoped3A : memref<!tpu.dma_semaphore, #tpu.memory_space<semaphore_mem>>) src(%arg3 : memref<10000xf32, #tpu.memory_space<hbm>>) dst(%arg7 : memref<10000xf32, #tpu.memory_space<vmem>>)
      tpu.yield
    }) : () -> ()
    %barrier3A = arith.constant 0 : index
    tpu.barrier barrier_id(%barrier3A)
    %mul3A_1 = arith.constant 2 : i32
    %mul3A_2 = arith.muli %arg1, %mul3A_1 : i32
    %add3A = arith.addi %mul3A_2, %arg0 : i32
    %mul3A_3 = arith.constant 10000 : i32
    %mul3A_4 = arith.muli %add3A, %mul3A_3 : i32
    %add3A_5 = arith.constant 0 : i32
    %add3A_6 = arith.addi %mul3A_4, %add3A_5 : i32
    "tpu.region"() ({
      %run_scoped3A = tpu.sem_alloc : memref<!tpu.dma_semaphore, #tpu.memory_space<semaphore_mem>>
      %dma_start3A = tpu.memref_slice %arg2[%add3A_6] : memref<320000xi32, #tpu.memory_space<hbm>> -> memref<10000xi32, #tpu.memory_space<hbm>>
      %dma_start3A_12 = tpu.memref_slice %arg2[%add3A_6] : memref<320000xi32, #tpu.memory_space<hbm>> -> memref<10000xi32, #tpu.memory_space<hbm>>
      tpu.enqueue_dma source(%dma_start3A_12 : memref<10000xi32, #tpu.memory_space<hbm>>) target(%arg6 : memref<10000xi32, #tpu.memory_space<vmem>>) target_semaphore(%run_scoped3A : memref<!tpu.dma_semaphore, #tpu.memory_space<semaphore_mem>>)
      %dma_wait3A = tpu.memref_slice %arg2[%add3A_6] : memref<320000xi32, #tpu.memory_space<hbm>> -> memref<10000xi32, #tpu.memory_space<hbm>>
      %dma_wait3A_13 = tpu.memref_slice %arg2[%add3A_6] : memref<320000xi32, #tpu.memory_space<hbm>> -> memref<10000xi32, #tpu.memory_space<hbm>>
      tpu.wait_dma2 semaphore(%run_scoped3A : memref<!tpu.dma_semaphore, #tpu.memory_space<semaphore_mem>>) src(%dma_wait3A_13 : memref<10000xi32, #tpu.memory_space<hbm>>) dst(%arg6 : memref<10000xi32, #tpu.memory_space<vmem>>)
      tpu.yield
    }) : () -> ()
    "tpu.region"() ({
      %run_scoped3A = tpu.sem_alloc : memref<!tpu.dma_semaphore, #tpu.memory_space<semaphore_mem>>
      %dma_start3A = arith.constant 0 : i32
      %dma_start3A_12 = tpu.memref_slice %arg8[%dma_start3A] : memref<10240xf32, #tpu.memory_space<vmem_shared>> -> memref<10240xf32, #tpu.memory_space<vmem_shared>>
      tpu.enqueue_indirect_dma source(%arg7 : memref<10000xf32, #tpu.memory_space<vmem>>) target(%dma_start3A_12 : memref<10240xf32, #tpu.memory_space<vmem_shared>>) offsets(%arg6 : memref<10000xi32, #tpu.memory_space<vmem>>) semaphore(%run_scoped3A : memref<!tpu.dma_semaphore, #tpu.memory_space<semaphore_mem>>) {add = true}
      %dma_wait3A = arith.constant 0 : i32
      %dma_wait3A_13 = tpu.memref_slice %arg8[%dma_wait3A] : memref<10240xf32, #tpu.memory_space<vmem_shared>> -> memref<10240xf32, #tpu.memory_space<vmem_shared>>
      tpu.wait_indirect_dma semaphore(%run_scoped3A : memref<!tpu.dma_semaphore, #tpu.memory_space<semaphore_mem>>) src(%arg7 : memref<10000xf32, #tpu.memory_space<vmem>>) dst(%dma_wait3A_13 : memref<10240xf32, #tpu.memory_space<vmem_shared>>)
      tpu.yield
    }) : () -> ()
    %barrier3A_7 = arith.constant 0 : index
    tpu.barrier barrier_id(%barrier3A_7)
    %mul3A_8 = arith.constant 640 : i32
    %mul3A_9 = arith.muli %arg1, %mul3A_8 : i32
    %mul3A_10 = arith.constant 640 : i32
    %mul3A_11 = arith.muli %arg1, %mul3A_10 : i32
    "tpu.region"() ({
      %run_scoped3A = tpu.sem_alloc : memref<!tpu.dma_semaphore, #tpu.memory_space<semaphore_mem>>
      %dma_start3A = tpu.memref_slice %arg5[%arg0, %mul3A_11] : memref<2x10240xf32, #tpu.memory_space<hbm>> -> memref<1x640xf32, #tpu.memory_space<hbm>>
      %dma_start3A_12 = tpu.memref_squeeze %dma_start3A : memref<1x640xf32, #tpu.memory_space<hbm>> -> memref<640xf32, #tpu.memory_space<hbm>>
      %dma_start3A_13 = tpu.memref_slice %arg8[%mul3A_9] : memref<10240xf32, #tpu.memory_space<vmem_shared>> -> memref<640xf32, #tpu.memory_space<vmem_shared>>
      tpu.enqueue_dma source(%dma_start3A_13 : memref<640xf32, #tpu.memory_space<vmem_shared>>) target(%dma_start3A_12 : memref<640xf32, #tpu.memory_space<hbm>>) target_semaphore(%run_scoped3A : memref<!tpu.dma_semaphore, #tpu.memory_space<semaphore_mem>>)
      %dma_wait3A = tpu.memref_slice %arg5[%arg0, %mul3A_11] : memref<2x10240xf32, #tpu.memory_space<hbm>> -> memref<1x640xf32, #tpu.memory_space<hbm>>
      %dma_wait3A_14 = tpu.memref_squeeze %dma_wait3A : memref<1x640xf32, #tpu.memory_space<hbm>> -> memref<640xf32, #tpu.memory_space<hbm>>
      %dma_wait3A_15 = tpu.memref_slice %arg8[%mul3A_9] : memref<10240xf32, #tpu.memory_space<vmem_shared>> -> memref<640xf32, #tpu.memory_space<vmem_shared>>
      tpu.wait_dma2 semaphore(%run_scoped3A : memref<!tpu.dma_semaphore, #tpu.memory_space<semaphore_mem>>) src(%dma_wait3A_15 : memref<640xf32, #tpu.memory_space<vmem_shared>>) dst(%dma_wait3A_14 : memref<640xf32, #tpu.memory_space<hbm>>)
      tpu.yield
    }) : () -> ()
    return
  }
}

#map = affine_map<(d0, d1) -> (0, 0)>
#map1 = affine_map<(d0, d1) -> (0)>
#map2 = affine_map<(d0, d1) -> (0, 0, 0)>
module attributes {stable_mosaic.version = 14 : i64} {
  func.func @_msg_body(%arg0: i32, %arg1: i32, %arg2: memref<10240x128xf32, #tpu.memory_space<hbm>>, %arg3: memref<326656xi32, #tpu.memory_space<hbm>>, %arg4: memref<326656xi32, #tpu.memory_space<hbm>>, %arg5: memref<640x128xf32, #tpu.memory_space<hbm>>, %arg6: memref<2x10240x128xf32, #tpu.memory_space<hbm>>, %arg7: memref<176xi32, #tpu.memory_space<vmem>>, %arg8: memref<176xi32, #tpu.memory_space<vmem>>, %arg9: memref<176xi32, #tpu.memory_space<vmem>>, %arg10: memref<176xi32, #tpu.memory_space<vmem>>, %arg11: memref<176x128xf32, #tpu.memory_space<vmem>>, %arg12: memref<176x128xf32, #tpu.memory_space<vmem>>, %arg13: memref<10240x128xf32, #tpu.memory_space<vmem_shared>>, %arg14: memref<!tpu.dma_semaphore, #tpu.memory_space<semaphore_mem>>, %arg15: memref<!tpu.dma_semaphore, #tpu.memory_space<semaphore_mem>>, %arg16: memref<!tpu.dma_semaphore, #tpu.memory_space<semaphore_mem>>, %arg17: memref<!tpu.dma_semaphore, #tpu.memory_space<semaphore_mem>>, %arg18: memref<!tpu.dma_semaphore, #tpu.memory_space<semaphore_mem>>) attributes {dimension_semantics = [#tpu.dimension_semantics<core_parallel>, #tpu.dimension_semantics<subcore_parallel>], iteration_bounds = array<i64: 2, 16>, scalar_prefetch = 0 : i64, scratch_operands = 12 : i64, tpu.core_type = #tpu.core_type<sc_vector_subcore>, window_params = [{transform_indices = #map}, {transform_indices = #map1}, {transform_indices = #map1}, {transform_indices = #map}, {transform_indices = #map2}]} {
    %mul3A = arith.constant 640 : i32
    %mul3A_0 = arith.muli %arg1, %mul3A : i32
    %dma_start3A = arith.constant 0 : i32
    %dma_start3A_1 = tpu.memref_slice %arg13[%mul3A_0, %dma_start3A] : memref<10240x128xf32, #tpu.memory_space<vmem_shared>> -> memref<640x128xf32, #tpu.memory_space<vmem_shared>>
    tpu.enqueue_dma source(%arg5 : memref<640x128xf32, #tpu.memory_space<hbm>>) target(%dma_start3A_1 : memref<640x128xf32, #tpu.memory_space<vmem_shared>>) target_semaphore(%arg18 : memref<!tpu.dma_semaphore, #tpu.memory_space<semaphore_mem>>)
    %mul3A_2 = arith.constant 16 : i32
    %mul3A_3 = arith.muli %arg0, %mul3A_2 : i32
    %add3A = arith.addi %mul3A_3, %arg1 : i32
    %mul3A_4 = arith.constant 10208 : i32
    %mul3A_5 = arith.muli %add3A, %mul3A_4 : i32
    %add3A_6 = arith.constant 0 : i32
    %add3A_7 = arith.addi %mul3A_5, %add3A_6 : i32
    "tpu.region"() ({
      %run_scoped3A = tpu.sem_alloc : memref<!tpu.dma_semaphore, #tpu.memory_space<semaphore_mem>>
      %dma_start3A_27 = tpu.memref_slice %arg3[%add3A_7] : memref<326656xi32, #tpu.memory_space<hbm>> -> memref<176xi32, #tpu.memory_space<hbm>>
      %dma_start3A_28 = tpu.memref_slice %arg3[%add3A_7] : memref<326656xi32, #tpu.memory_space<hbm>> -> memref<176xi32, #tpu.memory_space<hbm>>
      tpu.enqueue_dma source(%dma_start3A_28 : memref<176xi32, #tpu.memory_space<hbm>>) target(%arg7 : memref<176xi32, #tpu.memory_space<vmem>>) target_semaphore(%run_scoped3A : memref<!tpu.dma_semaphore, #tpu.memory_space<semaphore_mem>>)
      %dma_wait3A_29 = tpu.memref_slice %arg3[%add3A_7] : memref<326656xi32, #tpu.memory_space<hbm>> -> memref<176xi32, #tpu.memory_space<hbm>>
      %dma_wait3A_30 = tpu.memref_slice %arg3[%add3A_7] : memref<326656xi32, #tpu.memory_space<hbm>> -> memref<176xi32, #tpu.memory_space<hbm>>
      tpu.wait_dma2 semaphore(%run_scoped3A : memref<!tpu.dma_semaphore, #tpu.memory_space<semaphore_mem>>) src(%dma_wait3A_30 : memref<176xi32, #tpu.memory_space<hbm>>) dst(%arg7 : memref<176xi32, #tpu.memory_space<vmem>>)
      tpu.yield
    }) : () -> ()
    "tpu.region"() ({
      %run_scoped3A = tpu.sem_alloc : memref<!tpu.dma_semaphore, #tpu.memory_space<semaphore_mem>>
      %dma_start3A_27 = tpu.memref_slice %arg4[%add3A_7] : memref<326656xi32, #tpu.memory_space<hbm>> -> memref<176xi32, #tpu.memory_space<hbm>>
      %dma_start3A_28 = tpu.memref_slice %arg4[%add3A_7] : memref<326656xi32, #tpu.memory_space<hbm>> -> memref<176xi32, #tpu.memory_space<hbm>>
      tpu.enqueue_dma source(%dma_start3A_28 : memref<176xi32, #tpu.memory_space<hbm>>) target(%arg8 : memref<176xi32, #tpu.memory_space<vmem>>) target_semaphore(%run_scoped3A : memref<!tpu.dma_semaphore, #tpu.memory_space<semaphore_mem>>)
      %dma_wait3A_29 = tpu.memref_slice %arg4[%add3A_7] : memref<326656xi32, #tpu.memory_space<hbm>> -> memref<176xi32, #tpu.memory_space<hbm>>
      %dma_wait3A_30 = tpu.memref_slice %arg4[%add3A_7] : memref<326656xi32, #tpu.memory_space<hbm>> -> memref<176xi32, #tpu.memory_space<hbm>>
      tpu.wait_dma2 semaphore(%run_scoped3A : memref<!tpu.dma_semaphore, #tpu.memory_space<semaphore_mem>>) src(%dma_wait3A_30 : memref<176xi32, #tpu.memory_space<hbm>>) dst(%arg8 : memref<176xi32, #tpu.memory_space<vmem>>)
      tpu.yield
    }) : () -> ()
    %dma_start3A_8 = arith.constant 0 : i32
    %dma_start3A_9 = arith.constant 0 : i32
    %dma_start3A_10 = tpu.memref_slice %arg2[%dma_start3A_8, %dma_start3A_9] : memref<10240x128xf32, #tpu.memory_space<hbm>> -> memref<10240x128xf32, #tpu.memory_space<hbm>>
    tpu.enqueue_indirect_dma source(%dma_start3A_10 : memref<10240x128xf32, #tpu.memory_space<hbm>>) target(%arg11 : memref<176x128xf32, #tpu.memory_space<vmem>>) offsets(%arg7 : memref<176xi32, #tpu.memory_space<vmem>>) semaphore(%arg14 : memref<!tpu.dma_semaphore, #tpu.memory_space<semaphore_mem>>)
    %add3A_11 = arith.constant 176 : i32
    %add3A_12 = arith.addi %mul3A_5, %add3A_11 : i32
    "tpu.region"() ({
      %run_scoped3A = tpu.sem_alloc : memref<!tpu.dma_semaphore, #tpu.memory_space<semaphore_mem>>
      %dma_start3A_27 = tpu.memref_slice %arg3[%add3A_12] : memref<326656xi32, #tpu.memory_space<hbm>> -> memref<176xi32, #tpu.memory_space<hbm>>
      %dma_start3A_28 = tpu.memref_slice %arg3[%add3A_12] : memref<326656xi32, #tpu.memory_space<hbm>> -> memref<176xi32, #tpu.memory_space<hbm>>
      tpu.enqueue_dma source(%dma_start3A_28 : memref<176xi32, #tpu.memory_space<hbm>>) target(%arg9 : memref<176xi32, #tpu.memory_space<vmem>>) target_semaphore(%run_scoped3A : memref<!tpu.dma_semaphore, #tpu.memory_space<semaphore_mem>>)
      %dma_wait3A_29 = tpu.memref_slice %arg3[%add3A_12] : memref<326656xi32, #tpu.memory_space<hbm>> -> memref<176xi32, #tpu.memory_space<hbm>>
      %dma_wait3A_30 = tpu.memref_slice %arg3[%add3A_12] : memref<326656xi32, #tpu.memory_space<hbm>> -> memref<176xi32, #tpu.memory_space<hbm>>
      tpu.wait_dma2 semaphore(%run_scoped3A : memref<!tpu.dma_semaphore, #tpu.memory_space<semaphore_mem>>) src(%dma_wait3A_30 : memref<176xi32, #tpu.memory_space<hbm>>) dst(%arg9 : memref<176xi32, #tpu.memory_space<vmem>>)
      tpu.yield
    }) : () -> ()
    "tpu.region"() ({
      %run_scoped3A = tpu.sem_alloc : memref<!tpu.dma_semaphore, #tpu.memory_space<semaphore_mem>>
      %dma_start3A_27 = tpu.memref_slice %arg4[%add3A_12] : memref<326656xi32, #tpu.memory_space<hbm>> -> memref<176xi32, #tpu.memory_space<hbm>>
      %dma_start3A_28 = tpu.memref_slice %arg4[%add3A_12] : memref<326656xi32, #tpu.memory_space<hbm>> -> memref<176xi32, #tpu.memory_space<hbm>>
      tpu.enqueue_dma source(%dma_start3A_28 : memref<176xi32, #tpu.memory_space<hbm>>) target(%arg10 : memref<176xi32, #tpu.memory_space<vmem>>) target_semaphore(%run_scoped3A : memref<!tpu.dma_semaphore, #tpu.memory_space<semaphore_mem>>)
      %dma_wait3A_29 = tpu.memref_slice %arg4[%add3A_12] : memref<326656xi32, #tpu.memory_space<hbm>> -> memref<176xi32, #tpu.memory_space<hbm>>
      %dma_wait3A_30 = tpu.memref_slice %arg4[%add3A_12] : memref<326656xi32, #tpu.memory_space<hbm>> -> memref<176xi32, #tpu.memory_space<hbm>>
      tpu.wait_dma2 semaphore(%run_scoped3A : memref<!tpu.dma_semaphore, #tpu.memory_space<semaphore_mem>>) src(%dma_wait3A_30 : memref<176xi32, #tpu.memory_space<hbm>>) dst(%arg10 : memref<176xi32, #tpu.memory_space<vmem>>)
      tpu.yield
    }) : () -> ()
    %dma_start3A_13 = arith.constant 0 : i32
    %dma_start3A_14 = arith.constant 0 : i32
    %dma_start3A_15 = tpu.memref_slice %arg2[%dma_start3A_13, %dma_start3A_14] : memref<10240x128xf32, #tpu.memory_space<hbm>> -> memref<10240x128xf32, #tpu.memory_space<hbm>>
    tpu.enqueue_indirect_dma source(%dma_start3A_15 : memref<10240x128xf32, #tpu.memory_space<hbm>>) target(%arg12 : memref<176x128xf32, #tpu.memory_space<vmem>>) offsets(%arg9 : memref<176xi32, #tpu.memory_space<vmem>>) semaphore(%arg15 : memref<!tpu.dma_semaphore, #tpu.memory_space<semaphore_mem>>)
    %dma_wait3A = arith.constant 0 : i32
    %dma_wait3A_16 = tpu.memref_slice %arg13[%mul3A_0, %dma_wait3A] : memref<10240x128xf32, #tpu.memory_space<vmem_shared>> -> memref<640x128xf32, #tpu.memory_space<vmem_shared>>
    tpu.wait_dma2 semaphore(%arg18 : memref<!tpu.dma_semaphore, #tpu.memory_space<semaphore_mem>>) src(%arg5 : memref<640x128xf32, #tpu.memory_space<hbm>>) dst(%dma_wait3A_16 : memref<640x128xf32, #tpu.memory_space<vmem_shared>>)
    %barrier3A = arith.constant 0 : index
    tpu.barrier barrier_id(%barrier3A)
    %scan3A = arith.constant 0 : i32
    %scan3A_17 = arith.constant 0 : i32
    %scan3A_18 = arith.constant 29 : i32
    %scan3A_19 = arith.addi %scan3A_17, %scan3A_18 : i32
    %scan3A_20 = arith.constant 1 : i32
    scf.for %scan3A_27 = %scan3A_17 to %scan3A_19 step %scan3A_20  : i32 {
      %mul3A_28 = arith.constant 2 : i32
      %mul3A_29 = arith.muli %mul3A_28, %scan3A_27 : i32
      %dma_wait3A_30 = arith.constant 0 : i32
      %dma_wait3A_31 = arith.constant 0 : i32
      %dma_wait3A_32 = tpu.memref_slice %arg2[%dma_wait3A_30, %dma_wait3A_31] : memref<10240x128xf32, #tpu.memory_space<hbm>> -> memref<10240x128xf32, #tpu.memory_space<hbm>>
      tpu.wait_indirect_dma semaphore(%arg14 : memref<!tpu.dma_semaphore, #tpu.memory_space<semaphore_mem>>) src(%dma_wait3A_32 : memref<10240x128xf32, #tpu.memory_space<hbm>>) dst(%arg11 : memref<176x128xf32, #tpu.memory_space<vmem>>)
      %dma_start3A_33 = arith.constant 0 : i32
      %dma_start3A_34 = arith.constant 0 : i32
      %dma_start3A_35 = tpu.memref_slice %arg13[%dma_start3A_33, %dma_start3A_34] : memref<10240x128xf32, #tpu.memory_space<vmem_shared>> -> memref<10240x128xf32, #tpu.memory_space<vmem_shared>>
      tpu.enqueue_indirect_dma source(%arg11 : memref<176x128xf32, #tpu.memory_space<vmem>>) target(%dma_start3A_35 : memref<10240x128xf32, #tpu.memory_space<vmem_shared>>) offsets(%arg8 : memref<176xi32, #tpu.memory_space<vmem>>) semaphore(%arg16 : memref<!tpu.dma_semaphore, #tpu.memory_space<semaphore_mem>>) {add = true}
      %dma_wait3A_36 = arith.constant 0 : i32
      %dma_wait3A_37 = arith.constant 0 : i32
      %dma_wait3A_38 = tpu.memref_slice %arg2[%dma_wait3A_36, %dma_wait3A_37] : memref<10240x128xf32, #tpu.memory_space<hbm>> -> memref<10240x128xf32, #tpu.memory_space<hbm>>
      tpu.wait_indirect_dma semaphore(%arg15 : memref<!tpu.dma_semaphore, #tpu.memory_space<semaphore_mem>>) src(%dma_wait3A_38 : memref<10240x128xf32, #tpu.memory_space<hbm>>) dst(%arg12 : memref<176x128xf32, #tpu.memory_space<vmem>>)
      %dma_start3A_39 = arith.constant 0 : i32
      %dma_start3A_40 = arith.constant 0 : i32
      %dma_start3A_41 = tpu.memref_slice %arg13[%dma_start3A_39, %dma_start3A_40] : memref<10240x128xf32, #tpu.memory_space<vmem_shared>> -> memref<10240x128xf32, #tpu.memory_space<vmem_shared>>
      tpu.enqueue_indirect_dma source(%arg12 : memref<176x128xf32, #tpu.memory_space<vmem>>) target(%dma_start3A_41 : memref<10240x128xf32, #tpu.memory_space<vmem_shared>>) offsets(%arg10 : memref<176xi32, #tpu.memory_space<vmem>>) semaphore(%arg17 : memref<!tpu.dma_semaphore, #tpu.memory_space<semaphore_mem>>) {add = true}
      %dma_wait3A_42 = arith.constant 0 : i32
      %dma_wait3A_43 = arith.constant 0 : i32
      %dma_wait3A_44 = tpu.memref_slice %arg13[%dma_wait3A_42, %dma_wait3A_43] : memref<10240x128xf32, #tpu.memory_space<vmem_shared>> -> memref<10240x128xf32, #tpu.memory_space<vmem_shared>>
      tpu.wait_indirect_dma semaphore(%arg16 : memref<!tpu.dma_semaphore, #tpu.memory_space<semaphore_mem>>) src(%arg11 : memref<176x128xf32, #tpu.memory_space<vmem>>) dst(%dma_wait3A_44 : memref<10240x128xf32, #tpu.memory_space<vmem_shared>>)
      %add3A_45 = arith.constant 2 : i32
      %add3A_46 = arith.addi %mul3A_29, %add3A_45 : i32
      %lt3A = arith.constant 58 : i32
      %lt3A_47 = arith.cmpi slt, %add3A_46, %lt3A : i32
      %convert_element_type3A = arith.extui %lt3A_47 : i1 to i32
      %cond3A = arith.constant 0 : i32
      %cond3A_48 = arith.cmpi ne, %convert_element_type3A, %cond3A : i32
      scf.if %cond3A_48 {
        %add3A_59 = arith.constant 2 : i32
        %add3A_60 = arith.addi %mul3A_29, %add3A_59 : i32
        %mul3A_61 = arith.constant 176 : i32
        %mul3A_62 = arith.muli %add3A_60, %mul3A_61 : i32
        %add3A_63 = arith.addi %mul3A_5, %mul3A_62 : i32
        "tpu.region"() ({
          %run_scoped3A = tpu.sem_alloc : memref<!tpu.dma_semaphore, #tpu.memory_space<semaphore_mem>>
          %dma_start3A_67 = tpu.memref_slice %arg3[%add3A_63] : memref<326656xi32, #tpu.memory_space<hbm>> -> memref<176xi32, #tpu.memory_space<hbm>>
          %dma_start3A_68 = tpu.memref_slice %arg3[%add3A_63] : memref<326656xi32, #tpu.memory_space<hbm>> -> memref<176xi32, #tpu.memory_space<hbm>>
          tpu.enqueue_dma source(%dma_start3A_68 : memref<176xi32, #tpu.memory_space<hbm>>) target(%arg7 : memref<176xi32, #tpu.memory_space<vmem>>) target_semaphore(%run_scoped3A : memref<!tpu.dma_semaphore, #tpu.memory_space<semaphore_mem>>)
          %dma_wait3A_69 = tpu.memref_slice %arg3[%add3A_63] : memref<326656xi32, #tpu.memory_space<hbm>> -> memref<176xi32, #tpu.memory_space<hbm>>
          %dma_wait3A_70 = tpu.memref_slice %arg3[%add3A_63] : memref<326656xi32, #tpu.memory_space<hbm>> -> memref<176xi32, #tpu.memory_space<hbm>>
          tpu.wait_dma2 semaphore(%run_scoped3A : memref<!tpu.dma_semaphore, #tpu.memory_space<semaphore_mem>>) src(%dma_wait3A_70 : memref<176xi32, #tpu.memory_space<hbm>>) dst(%arg7 : memref<176xi32, #tpu.memory_space<vmem>>)
          tpu.yield
        }) : () -> ()
        "tpu.region"() ({
          %run_scoped3A = tpu.sem_alloc : memref<!tpu.dma_semaphore, #tpu.memory_space<semaphore_mem>>
          %dma_start3A_67 = tpu.memref_slice %arg4[%add3A_63] : memref<326656xi32, #tpu.memory_space<hbm>> -> memref<176xi32, #tpu.memory_space<hbm>>
          %dma_start3A_68 = tpu.memref_slice %arg4[%add3A_63] : memref<326656xi32, #tpu.memory_space<hbm>> -> memref<176xi32, #tpu.memory_space<hbm>>
          tpu.enqueue_dma source(%dma_start3A_68 : memref<176xi32, #tpu.memory_space<hbm>>) target(%arg8 : memref<176xi32, #tpu.memory_space<vmem>>) target_semaphore(%run_scoped3A : memref<!tpu.dma_semaphore, #tpu.memory_space<semaphore_mem>>)
          %dma_wait3A_69 = tpu.memref_slice %arg4[%add3A_63] : memref<326656xi32, #tpu.memory_space<hbm>> -> memref<176xi32, #tpu.memory_space<hbm>>
          %dma_wait3A_70 = tpu.memref_slice %arg4[%add3A_63] : memref<326656xi32, #tpu.memory_space<hbm>> -> memref<176xi32, #tpu.memory_space<hbm>>
          tpu.wait_dma2 semaphore(%run_scoped3A : memref<!tpu.dma_semaphore, #tpu.memory_space<semaphore_mem>>) src(%dma_wait3A_70 : memref<176xi32, #tpu.memory_space<hbm>>) dst(%arg8 : memref<176xi32, #tpu.memory_space<vmem>>)
          tpu.yield
        }) : () -> ()
        %dma_start3A_64 = arith.constant 0 : i32
        %dma_start3A_65 = arith.constant 0 : i32
        %dma_start3A_66 = tpu.memref_slice %arg2[%dma_start3A_64, %dma_start3A_65] : memref<10240x128xf32, #tpu.memory_space<hbm>> -> memref<10240x128xf32, #tpu.memory_space<hbm>>
        tpu.enqueue_indirect_dma source(%dma_start3A_66 : memref<10240x128xf32, #tpu.memory_space<hbm>>) target(%arg11 : memref<176x128xf32, #tpu.memory_space<vmem>>) offsets(%arg7 : memref<176xi32, #tpu.memory_space<vmem>>) semaphore(%arg14 : memref<!tpu.dma_semaphore, #tpu.memory_space<semaphore_mem>>)
      } else {
      }
      %dma_wait3A_49 = arith.constant 0 : i32
      %dma_wait3A_50 = arith.constant 0 : i32
      %dma_wait3A_51 = tpu.memref_slice %arg13[%dma_wait3A_49, %dma_wait3A_50] : memref<10240x128xf32, #tpu.memory_space<vmem_shared>> -> memref<10240x128xf32, #tpu.memory_space<vmem_shared>>
      tpu.wait_indirect_dma semaphore(%arg17 : memref<!tpu.dma_semaphore, #tpu.memory_space<semaphore_mem>>) src(%arg12 : memref<176x128xf32, #tpu.memory_space<vmem>>) dst(%dma_wait3A_51 : memref<10240x128xf32, #tpu.memory_space<vmem_shared>>)
      %add3A_52 = arith.constant 3 : i32
      %add3A_53 = arith.addi %mul3A_29, %add3A_52 : i32
      %lt3A_54 = arith.constant 58 : i32
      %lt3A_55 = arith.cmpi slt, %add3A_53, %lt3A_54 : i32
      %convert_element_type3A_56 = arith.extui %lt3A_55 : i1 to i32
      %cond3A_57 = arith.constant 0 : i32
      %cond3A_58 = arith.cmpi ne, %convert_element_type3A_56, %cond3A_57 : i32
      scf.if %cond3A_58 {
        %add3A_59 = arith.constant 3 : i32
        %add3A_60 = arith.addi %mul3A_29, %add3A_59 : i32
        %mul3A_61 = arith.constant 176 : i32
        %mul3A_62 = arith.muli %add3A_60, %mul3A_61 : i32
        %add3A_63 = arith.addi %mul3A_5, %mul3A_62 : i32
        "tpu.region"() ({
          %run_scoped3A = tpu.sem_alloc : memref<!tpu.dma_semaphore, #tpu.memory_space<semaphore_mem>>
          %dma_start3A_67 = tpu.memref_slice %arg3[%add3A_63] : memref<326656xi32, #tpu.memory_space<hbm>> -> memref<176xi32, #tpu.memory_space<hbm>>
          %dma_start3A_68 = tpu.memref_slice %arg3[%add3A_63] : memref<326656xi32, #tpu.memory_space<hbm>> -> memref<176xi32, #tpu.memory_space<hbm>>
          tpu.enqueue_dma source(%dma_start3A_68 : memref<176xi32, #tpu.memory_space<hbm>>) target(%arg9 : memref<176xi32, #tpu.memory_space<vmem>>) target_semaphore(%run_scoped3A : memref<!tpu.dma_semaphore, #tpu.memory_space<semaphore_mem>>)
          %dma_wait3A_69 = tpu.memref_slice %arg3[%add3A_63] : memref<326656xi32, #tpu.memory_space<hbm>> -> memref<176xi32, #tpu.memory_space<hbm>>
          %dma_wait3A_70 = tpu.memref_slice %arg3[%add3A_63] : memref<326656xi32, #tpu.memory_space<hbm>> -> memref<176xi32, #tpu.memory_space<hbm>>
          tpu.wait_dma2 semaphore(%run_scoped3A : memref<!tpu.dma_semaphore, #tpu.memory_space<semaphore_mem>>) src(%dma_wait3A_70 : memref<176xi32, #tpu.memory_space<hbm>>) dst(%arg9 : memref<176xi32, #tpu.memory_space<vmem>>)
          tpu.yield
        }) : () -> ()
        "tpu.region"() ({
          %run_scoped3A = tpu.sem_alloc : memref<!tpu.dma_semaphore, #tpu.memory_space<semaphore_mem>>
          %dma_start3A_67 = tpu.memref_slice %arg4[%add3A_63] : memref<326656xi32, #tpu.memory_space<hbm>> -> memref<176xi32, #tpu.memory_space<hbm>>
          %dma_start3A_68 = tpu.memref_slice %arg4[%add3A_63] : memref<326656xi32, #tpu.memory_space<hbm>> -> memref<176xi32, #tpu.memory_space<hbm>>
          tpu.enqueue_dma source(%dma_start3A_68 : memref<176xi32, #tpu.memory_space<hbm>>) target(%arg10 : memref<176xi32, #tpu.memory_space<vmem>>) target_semaphore(%run_scoped3A : memref<!tpu.dma_semaphore, #tpu.memory_space<semaphore_mem>>)
          %dma_wait3A_69 = tpu.memref_slice %arg4[%add3A_63] : memref<326656xi32, #tpu.memory_space<hbm>> -> memref<176xi32, #tpu.memory_space<hbm>>
          %dma_wait3A_70 = tpu.memref_slice %arg4[%add3A_63] : memref<326656xi32, #tpu.memory_space<hbm>> -> memref<176xi32, #tpu.memory_space<hbm>>
          tpu.wait_dma2 semaphore(%run_scoped3A : memref<!tpu.dma_semaphore, #tpu.memory_space<semaphore_mem>>) src(%dma_wait3A_70 : memref<176xi32, #tpu.memory_space<hbm>>) dst(%arg10 : memref<176xi32, #tpu.memory_space<vmem>>)
          tpu.yield
        }) : () -> ()
        %dma_start3A_64 = arith.constant 0 : i32
        %dma_start3A_65 = arith.constant 0 : i32
        %dma_start3A_66 = tpu.memref_slice %arg2[%dma_start3A_64, %dma_start3A_65] : memref<10240x128xf32, #tpu.memory_space<hbm>> -> memref<10240x128xf32, #tpu.memory_space<hbm>>
        tpu.enqueue_indirect_dma source(%dma_start3A_66 : memref<10240x128xf32, #tpu.memory_space<hbm>>) target(%arg12 : memref<176x128xf32, #tpu.memory_space<vmem>>) offsets(%arg9 : memref<176xi32, #tpu.memory_space<vmem>>) semaphore(%arg15 : memref<!tpu.dma_semaphore, #tpu.memory_space<semaphore_mem>>)
      } else {
      }
    }
    %scan3A_21 = arith.constant 29 : i32
    %barrier3A_22 = arith.constant 0 : index
    tpu.barrier barrier_id(%barrier3A_22)
    %mul3A_23 = arith.constant 640 : i32
    %mul3A_24 = arith.muli %arg1, %mul3A_23 : i32
    %mul3A_25 = arith.constant 640 : i32
    %mul3A_26 = arith.muli %arg1, %mul3A_25 : i32
    "tpu.region"() ({
      %run_scoped3A = tpu.sem_alloc : memref<!tpu.dma_semaphore, #tpu.memory_space<semaphore_mem>>
      %dma_start3A_27 = arith.constant 0 : i32
      %dma_start3A_28 = tpu.memref_slice %arg6[%arg0, %mul3A_26, %dma_start3A_27] : memref<2x10240x128xf32, #tpu.memory_space<hbm>> -> memref<1x640x128xf32, #tpu.memory_space<hbm>>
      %dma_start3A_29 = tpu.memref_squeeze %dma_start3A_28 : memref<1x640x128xf32, #tpu.memory_space<hbm>> -> memref<640x128xf32, #tpu.memory_space<hbm>>
      %dma_start3A_30 = arith.constant 0 : i32
      %dma_start3A_31 = tpu.memref_slice %arg13[%mul3A_24, %dma_start3A_30] : memref<10240x128xf32, #tpu.memory_space<vmem_shared>> -> memref<640x128xf32, #tpu.memory_space<vmem_shared>>
      tpu.enqueue_dma source(%dma_start3A_31 : memref<640x128xf32, #tpu.memory_space<vmem_shared>>) target(%dma_start3A_29 : memref<640x128xf32, #tpu.memory_space<hbm>>) target_semaphore(%run_scoped3A : memref<!tpu.dma_semaphore, #tpu.memory_space<semaphore_mem>>)
      %dma_wait3A_32 = arith.constant 0 : i32
      %dma_wait3A_33 = tpu.memref_slice %arg6[%arg0, %mul3A_26, %dma_wait3A_32] : memref<2x10240x128xf32, #tpu.memory_space<hbm>> -> memref<1x640x128xf32, #tpu.memory_space<hbm>>
      %dma_wait3A_34 = tpu.memref_squeeze %dma_wait3A_33 : memref<1x640x128xf32, #tpu.memory_space<hbm>> -> memref<640x128xf32, #tpu.memory_space<hbm>>
      %dma_wait3A_35 = arith.constant 0 : i32
      %dma_wait3A_36 = tpu.memref_slice %arg13[%mul3A_24, %dma_wait3A_35] : memref<10240x128xf32, #tpu.memory_space<vmem_shared>> -> memref<640x128xf32, #tpu.memory_space<vmem_shared>>
      tpu.wait_dma2 semaphore(%run_scoped3A : memref<!tpu.dma_semaphore, #tpu.memory_space<semaphore_mem>>) src(%dma_wait3A_36 : memref<640x128xf32, #tpu.memory_space<vmem_shared>>) dst(%dma_wait3A_34 : memref<640x128xf32, #tpu.memory_space<hbm>>)
      tpu.yield
    }) : () -> ()
    return
  }
}

module attributes {stable_mosaic.version = 14 : i64} {
  func.func @_tc1_body(%arg0: i32, %arg1: memref<512x128xf32, #tpu.memory_space<vmem>>, %arg2: memref<128x128xf32, #tpu.memory_space<vmem>>, %arg3: memref<1x1x512xf32, #tpu.memory_space<vmem>>, %arg4: memref<1x1x512xf32, #tpu.memory_space<vmem>>, %arg5: memref<512x128xf32, #tpu.memory_space<vmem>>) attributes {dimension_semantics = [#tpu.dimension_semantics<arbitrary>], iteration_bounds = array<i64: 20>, scalar_prefetch = 0 : i64, scratch_operands = 0 : i64, tpu.core_type = #tpu.core_type<tc>, window_params = [{transform_indices = @transform_0, window_bounds = array<i64: 512, 128>}, {pipeline_mode = #tpu.pipeline_mode<synchronous>, transform_indices = @transform_1, window_bounds = array<i64: 128, 128>}, {transform_indices = @transform_2, window_bounds = array<i64: 1, 1, 512>}, {transform_indices = @transform_3, window_bounds = array<i64: 1, 1, 512>}, {transform_indices = @transform_4, window_bounds = array<i64: 512, 128>}]} {
    %get3A = arith.constant 0 : index
    %get3A_0 = arith.constant 0 : index
    %get3A_1 = vector.load %arg1[%get3A, %get3A_0] : memref<512x128xf32, #tpu.memory_space<vmem>>, vector<512x128xf32>
    %get3A_2 = arith.constant 0 : index
    %get3A_3 = arith.constant 0 : index
    %get3A_4 = vector.load %arg2[%get3A_2, %get3A_3] : memref<128x128xf32, #tpu.memory_space<vmem>>, vector<128x128xf32>
    %dot_general3A = arith.constant dense<0.000000e+00> : vector<512x128xf32>
    %dot_general3A_5 = tpu.matmul %get3A_1, %get3A_4, %dot_general3A {dimension_numbers = #tpu.dot_dimension_numbers<[1], [0], [0], [1], [0, 0, 1, 1], [], []>, transpose_lhs_hint = false} : vector<512x128xf32>, vector<128x128xf32>, vector<512x128xf32> -> vector<512x128xf32>
    %get3A_6 = arith.constant 0 : index
    %get3A_7 = arith.constant 0 : index
    %get3A_8 = arith.constant 0 : index
    %get3A_9 = vector.load %arg3[%get3A_6, %get3A_7, %get3A_8] : memref<1x1x512xf32, #tpu.memory_space<vmem>>, vector<1x1x512xf32>
    %get3A_10 = arith.constant 0 : index
    %get3A_11 = arith.constant 0 : index
    %get3A_12 = arith.constant 0 : index
    %get3A_13 = vector.load %arg4[%get3A_10, %get3A_11, %get3A_12] : memref<1x1x512xf32, #tpu.memory_space<vmem>>, vector<1x1x512xf32>
    %add3A = arith.addf %get3A_9, %get3A_13 : vector<1x1x512xf32>
    %reshape3A = vector.shape_cast %add3A : vector<1x1x512xf32> to vector<512xf32>
    %add3A_14 = arith.constant 1.000000e+00 : f32
    %add3A_15 = vector.broadcast %add3A_14 : f32 to vector<512xf32>
    %add3A_16 = arith.addf %add3A_15, %reshape3A : vector<512xf32>
    %rsqrt3A = math.rsqrt %add3A_16 : vector<512xf32>
    %broadcast_in_dim3A = vector.shape_cast %rsqrt3A : vector<512xf32> to vector<512x1xf32>
    %mul3A = vector.broadcast %broadcast_in_dim3A : vector<512x1xf32> to vector<512x128xf32>
    %mul3A_17 = arith.mulf %dot_general3A_5, %mul3A : vector<512x128xf32>
    %swap3A = arith.constant 0 : index
    %swap3A_18 = arith.constant 0 : index
    %swap3A_19 = vector.load %arg5[%swap3A, %swap3A_18] : memref<512x128xf32, #tpu.memory_space<vmem>>, vector<512x128xf32>
    tpu.vector_store %arg5[%swap3A, %swap3A_18], %mul3A_17 {strides = array<i32>} : memref<512x128xf32, #tpu.memory_space<vmem>>, vector<512x128xf32>,
    return
  }
  func.func @transform_0(%arg0: i32) -> (i32, i32) {
    %c0_i32 = arith.constant 0 : i32
    %c0_i32_0 = arith.constant 0 : i32
    return %arg0, %c0_i32 : i32, i32
  }
  func.func @transform_1(%arg0: i32) -> (i32, i32) {
    %c0_i32 = arith.constant 0 : i32
    %c0_i32_0 = arith.constant 0 : i32
    %c0_i32_1 = arith.constant 0 : i32
    return %c0_i32, %c0_i32_0 : i32, i32
  }
  func.func @transform_2(%arg0: i32) -> (i32, i32, i32) {
    %c0_i32 = arith.constant 0 : i32
    %c0_i32_0 = arith.constant 0 : i32
    %c0_i32_1 = arith.constant 0 : i32
    return %arg0, %c0_i32, %c0_i32_0 : i32, i32, i32
  }
  func.func @transform_3(%arg0: i32) -> (i32, i32, i32) {
    %c0_i32 = arith.constant 0 : i32
    %c0_i32_0 = arith.constant 0 : i32
    %c0_i32_1 = arith.constant 0 : i32
    return %arg0, %c0_i32, %c0_i32_0 : i32, i32, i32
  }
  func.func @transform_4(%arg0: i32) -> (i32, i32) {
    %c0_i32 = arith.constant 0 : i32
    %c0_i32_0 = arith.constant 0 : i32
    return %arg0, %c0_i32 : i32, i32
  }
}

module attributes {stable_mosaic.version = 14 : i64} {
  func.func @_tc2_body(%arg0: i32, %arg1: memref<2x512x128xf32, #tpu.memory_space<vmem>>, %arg2: memref<512x128xf32, #tpu.memory_space<vmem>>, %arg3: memref<512x128xf32, #tpu.memory_space<vmem>>, %arg4: memref<1x1x512xf32, #tpu.memory_space<vmem>>, %arg5: memref<1x1x512xf32, #tpu.memory_space<vmem>>, %arg6: memref<1x128xf32, #tpu.memory_space<vmem>>, %arg7: memref<1x128xf32, #tpu.memory_space<vmem>>, %arg8: memref<1x128xf32, #tpu.memory_space<vmem>>, %arg9: memref<128x64xf32, #tpu.memory_space<vmem>>, %arg10: memref<1x64xf32, #tpu.memory_space<vmem>>, %arg11: memref<512x64xf32, #tpu.memory_space<vmem>>) attributes {dimension_semantics = [#tpu.dimension_semantics<arbitrary>], iteration_bounds = array<i64: 20>, scalar_prefetch = 0 : i64, scratch_operands = 0 : i64, tpu.core_type = #tpu.core_type<tc>, window_params = [{transform_indices = @transform_0, window_bounds = array<i64: 2, 512, 128>}, {transform_indices = @transform_1, window_bounds = array<i64: 512, 128>}, {transform_indices = @transform_2, window_bounds = array<i64: 512, 128>}, {transform_indices = @transform_3, window_bounds = array<i64: 1, 1, 512>}, {transform_indices = @transform_4, window_bounds = array<i64: 1, 1, 512>}, {pipeline_mode = #tpu.pipeline_mode<synchronous>, transform_indices = @transform_5, window_bounds = array<i64: 1, 128>}, {pipeline_mode = #tpu.pipeline_mode<synchronous>, transform_indices = @transform_6, window_bounds = array<i64: 1, 128>}, {pipeline_mode = #tpu.pipeline_mode<synchronous>, transform_indices = @transform_7, window_bounds = array<i64: 1, 128>}, {pipeline_mode = #tpu.pipeline_mode<synchronous>, transform_indices = @transform_8, window_bounds = array<i64: 128, 64>}, {pipeline_mode = #tpu.pipeline_mode<synchronous>, transform_indices = @transform_9, window_bounds = array<i64: 1, 64>}, {transform_indices = @transform_10, window_bounds = array<i64: 512, 64>}]} {
    %get3A = arith.constant 0 : index
    %get3A_0 = arith.constant 0 : index
    %get3A_1 = arith.constant 0 : index
    %get3A_2 = vector.load %arg1[%get3A, %get3A_0, %get3A_1] : memref<2x512x128xf32, #tpu.memory_space<vmem>>, vector<1x512x128xf32>
    %get3A_3 = vector.shape_cast %get3A_2 : vector<1x512x128xf32> to vector<512x128xf32>
    %get3A_4 = arith.constant 1 : index
    %get3A_5 = arith.constant 0 : index
    %get3A_6 = arith.constant 0 : index
    %get3A_7 = vector.load %arg1[%get3A_4, %get3A_5, %get3A_6] : memref<2x512x128xf32, #tpu.memory_space<vmem>>, vector<1x512x128xf32>
    %get3A_8 = vector.shape_cast %get3A_7 : vector<1x512x128xf32> to vector<512x128xf32>
    %add3A = arith.addf %get3A_3, %get3A_8 : vector<512x128xf32>
    %get3A_9 = arith.constant 0 : index
    %get3A_10 = arith.constant 0 : index
    %get3A_11 = vector.load %arg2[%get3A_9, %get3A_10] : memref<512x128xf32, #tpu.memory_space<vmem>>, vector<512x128xf32>
    %add3A_12 = arith.addf %add3A, %get3A_11 : vector<512x128xf32>
    %get3A_13 = arith.constant 0 : index
    %get3A_14 = arith.constant 0 : index
    %get3A_15 = arith.constant 0 : index
    %get3A_16 = vector.load %arg4[%get3A_13, %get3A_14, %get3A_15] : memref<1x1x512xf32, #tpu.memory_space<vmem>>, vector<1x1x512xf32>
    %get3A_17 = arith.constant 0 : index
    %get3A_18 = arith.constant 0 : index
    %get3A_19 = arith.constant 0 : index
    %get3A_20 = vector.load %arg5[%get3A_17, %get3A_18, %get3A_19] : memref<1x1x512xf32, #tpu.memory_space<vmem>>, vector<1x1x512xf32>
    %add3A_21 = arith.addf %get3A_16, %get3A_20 : vector<1x1x512xf32>
    %reshape3A = vector.shape_cast %add3A_21 : vector<1x1x512xf32> to vector<512xf32>
    %add3A_22 = arith.constant 1.000000e+00 : f32
    %add3A_23 = vector.broadcast %add3A_22 : f32 to vector<512xf32>
    %add3A_24 = arith.addf %add3A_23, %reshape3A : vector<512xf32>
    %rsqrt3A = math.rsqrt %add3A_24 : vector<512xf32>
    %get3A_25 = arith.constant 0 : index
    %get3A_26 = arith.constant 0 : index
    %get3A_27 = vector.load %arg3[%get3A_25, %get3A_26] : memref<512x128xf32, #tpu.memory_space<vmem>>, vector<512x128xf32>
    %get3A_28 = arith.constant 0 : index
    %get3A_29 = arith.constant 0 : index
    %get3A_30 = vector.load %arg6[%get3A_28, %get3A_29] : memref<1x128xf32, #tpu.memory_space<vmem>>, vector<1x128xf32>
    %broadcast_in_dim3A = vector.shape_cast %rsqrt3A : vector<512xf32> to vector<512x1xf32>
    %mul3A = vector.broadcast %broadcast_in_dim3A : vector<512x1xf32> to vector<512x128xf32>
    %mul3A_31 = arith.mulf %add3A_12, %mul3A : vector<512x128xf32>
    %add3A_32 = vector.broadcast %get3A_30 : vector<1x128xf32> to vector<512x128xf32>
    %add3A_33 = arith.addf %add3A_32, %mul3A_31 : vector<512x128xf32>
    %max3A = arith.constant 0.000000e+00 : f32
    %max3A_34 = vector.broadcast %max3A : f32 to vector<512x128xf32>
    %max3A_35 = arith.maximumf %add3A_33, %max3A_34 : vector<512x128xf32>
    %mul3A_36 = arith.mulf %max3A_35, %get3A_27 : vector<512x128xf32>
    %reduce_sum3A = arith.constant dense<0.000000e+00> : vector<512xf32>
    %reduce_sum3A_37 = vector.multi_reduction <add>, %mul3A_36, %reduce_sum3A [1] : vector<512x128xf32> to vector<512xf32>
    %broadcast_in_dim3A_38 = vector.shape_cast %reduce_sum3A_37 : vector<512xf32> to vector<512x1xf32>
    %div3A = arith.constant 1.280000e+02 : f32
    %div3A_39 = vector.broadcast %div3A : f32 to vector<512x1xf32>
    %div3A_40 = arith.divf %broadcast_in_dim3A_38, %div3A_39 : vector<512x1xf32>
    %sub3A = vector.broadcast %div3A_40 : vector<512x1xf32> to vector<512x128xf32>
    %sub3A_41 = arith.subf %mul3A_36, %sub3A : vector<512x128xf32>
    %integer_pow3A = arith.mulf %sub3A_41, %sub3A_41 : vector<512x128xf32>
    %reduce_sum3A_42 = arith.constant dense<0.000000e+00> : vector<512xf32>
    %reduce_sum3A_43 = vector.multi_reduction <add>, %integer_pow3A, %reduce_sum3A_42 [1] : vector<512x128xf32> to vector<512xf32>
    %broadcast_in_dim3A_44 = vector.shape_cast %reduce_sum3A_43 : vector<512xf32> to vector<512x1xf32>
    %div3A_45 = arith.constant 1.280000e+02 : f32
    %div3A_46 = vector.broadcast %div3A_45 : f32 to vector<512x1xf32>
    %div3A_47 = arith.divf %broadcast_in_dim3A_44, %div3A_46 : vector<512x1xf32>
    %sub3A_48 = vector.broadcast %div3A_40 : vector<512x1xf32> to vector<512x128xf32>
    %sub3A_49 = arith.subf %mul3A_36, %sub3A_48 : vector<512x128xf32>
    %add3A_50 = arith.constant 9.99999974E-6 : f32
    %add3A_51 = vector.broadcast %add3A_50 : f32 to vector<512x1xf32>
    %add3A_52 = arith.addf %div3A_47, %add3A_51 : vector<512x1xf32>
    %rsqrt3A_53 = math.rsqrt %add3A_52 : vector<512x1xf32>
    %mul3A_54 = vector.broadcast %rsqrt3A_53 : vector<512x1xf32> to vector<512x128xf32>
    %mul3A_55 = arith.mulf %sub3A_49, %mul3A_54 : vector<512x128xf32>
    %get3A_56 = arith.constant 0 : index
    %get3A_57 = arith.constant 0 : index
    %get3A_58 = vector.load %arg7[%get3A_56, %get3A_57] : memref<1x128xf32, #tpu.memory_space<vmem>>, vector<1x128xf32>
    %mul3A_59 = vector.broadcast %get3A_58 : vector<1x128xf32> to vector<512x128xf32>
    %mul3A_60 = arith.mulf %mul3A_55, %mul3A_59 : vector<512x128xf32>
    %get3A_61 = arith.constant 0 : index
    %get3A_62 = arith.constant 0 : index
    %get3A_63 = vector.load %arg8[%get3A_61, %get3A_62] : memref<1x128xf32, #tpu.memory_space<vmem>>, vector<1x128xf32>
    %add3A_64 = vector.broadcast %get3A_63 : vector<1x128xf32> to vector<512x128xf32>
    %add3A_65 = arith.addf %mul3A_60, %add3A_64 : vector<512x128xf32>
    %add3A_66 = arith.addf %add3A_65, %get3A_27 : vector<512x128xf32>
    %get3A_67 = arith.constant 0 : index
    %get3A_68 = arith.constant 0 : index
    %get3A_69 = vector.load %arg9[%get3A_67, %get3A_68] : memref<128x64xf32, #tpu.memory_space<vmem>>, vector<128x64xf32>
    %dot_general3A = arith.constant dense<0.000000e+00> : vector<512x64xf32>
    %dot_general3A_70 = tpu.matmul %add3A_66, %get3A_69, %dot_general3A {dimension_numbers = #tpu.dot_dimension_numbers<[1], [0], [0], [1], [0, 0, 1, 1], [], []>, transpose_lhs_hint = false} : vector<512x128xf32>, vector<128x64xf32>, vector<512x64xf32> -> vector<512x64xf32>
    %get3A_71 = arith.constant 0 : index
    %get3A_72 = arith.constant 0 : index
    %get3A_73 = vector.load %arg10[%get3A_71, %get3A_72] : memref<1x64xf32, #tpu.memory_space<vmem>>, vector<1x64xf32>
    %add3A_74 = vector.broadcast %get3A_73 : vector<1x64xf32> to vector<512x64xf32>
    %add3A_75 = arith.addf %dot_general3A_70, %add3A_74 : vector<512x64xf32>
    %swap3A = arith.constant 0 : index
    %swap3A_76 = arith.constant 0 : index
    %swap3A_77 = vector.load %arg11[%swap3A, %swap3A_76] : memref<512x64xf32, #tpu.memory_space<vmem>>, vector<512x64xf32>
    tpu.vector_store %arg11[%swap3A, %swap3A_76], %add3A_75 {strides = array<i32>} : memref<512x64xf32, #tpu.memory_space<vmem>>, vector<512x64xf32>,
    return
  }
  func.func @transform_0(%arg0: i32) -> (i32, i32, i32) {
    %c0_i32 = arith.constant 0 : i32
    %c0_i32_0 = arith.constant 0 : i32
    %c0_i32_1 = arith.constant 0 : i32
    return %c0_i32, %arg0, %c0_i32_0 : i32, i32, i32
  }
  func.func @transform_1(%arg0: i32) -> (i32, i32) {
    %c0_i32 = arith.constant 0 : i32
    %c0_i32_0 = arith.constant 0 : i32
    return %arg0, %c0_i32 : i32, i32
  }
  func.func @transform_2(%arg0: i32) -> (i32, i32) {
    %c0_i32 = arith.constant 0 : i32
    %c0_i32_0 = arith.constant 0 : i32
    return %arg0, %c0_i32 : i32, i32
  }
  func.func @transform_3(%arg0: i32) -> (i32, i32, i32) {
    %c0_i32 = arith.constant 0 : i32
    %c0_i32_0 = arith.constant 0 : i32
    %c0_i32_1 = arith.constant 0 : i32
    return %arg0, %c0_i32, %c0_i32_0 : i32, i32, i32
  }
  func.func @transform_4(%arg0: i32) -> (i32, i32, i32) {
    %c0_i32 = arith.constant 0 : i32
    %c0_i32_0 = arith.constant 0 : i32
    %c0_i32_1 = arith.constant 0 : i32
    return %arg0, %c0_i32, %c0_i32_0 : i32, i32, i32
  }
  func.func @transform_5(%arg0: i32) -> (i32, i32) {
    %c0_i32 = arith.constant 0 : i32
    %c0_i32_0 = arith.constant 0 : i32
    %c0_i32_1 = arith.constant 0 : i32
    return %c0_i32, %c0_i32_0 : i32, i32
  }
  func.func @transform_6(%arg0: i32) -> (i32, i32) {
    %c0_i32 = arith.constant 0 : i32
    %c0_i32_0 = arith.constant 0 : i32
    %c0_i32_1 = arith.constant 0 : i32
    return %c0_i32, %c0_i32_0 : i32, i32
  }
  func.func @transform_7(%arg0: i32) -> (i32, i32) {
    %c0_i32 = arith.constant 0 : i32
    %c0_i32_0 = arith.constant 0 : i32
    %c0_i32_1 = arith.constant 0 : i32
    return %c0_i32, %c0_i32_0 : i32, i32
  }
  func.func @transform_8(%arg0: i32) -> (i32, i32) {
    %c0_i32 = arith.constant 0 : i32
    %c0_i32_0 = arith.constant 0 : i32
    %c0_i32_1 = arith.constant 0 : i32
    return %c0_i32, %c0_i32_0 : i32, i32
  }
  func.func @transform_9(%arg0: i32) -> (i32, i32) {
    %c0_i32 = arith.constant 0 : i32
    %c0_i32_0 = arith.constant 0 : i32
    %c0_i32_1 = arith.constant 0 : i32
    return %c0_i32, %c0_i32_0 : i32, i32
  }
  func.func @transform_10(%arg0: i32) -> (i32, i32) {
    %c0_i32 = arith.constant 0 : i32
    %c0_i32_0 = arith.constant 0 : i32
    return %arg0, %c0_i32 : i32, i32
  }
}

</mosaic_0001>

<sc_bundles>
// kernel: kernel.6.cloned.1.call-start
scs
__scs_entry_jumppad:
0x0: {  	(pc) =	sbr.rel $0x88, $3  }
0x1: {  	(tag) =	ssettag $0x0;
	lr =	simm.s32 $0x1  }
0x2: {  	[smem:$0x3F99] =	sst lr;
	_ =	strace $0xD0000000  }
0x3: {  	_ = 	snop  }
0x4: {  	_ = 	snop  }
0x5: {  	_ = 	snop  }
0x6: {  	_ = 	snop  }
0x7: {  	_ = 	snop  }
__scs_overlays_trampoline_lowered:
0x8: {  	[smem:$0x3FA8] =	sst s0  }
0x9: {  	[smem:$0x3FA9] =	sst s1  }
0xa: {  	[smem:$0x3FAA] =	sst s2  }
0xb: {  	[smem:$0x3FAB] =	sst s3  }
0xc: {  	[smem:$0x3FAC] =	sst s4  }
0xd: {  	[smem:$0x3FAD] =	sst s5  }
0xe: {  	[smem:$0x3FAE] =	sst s6  }
0xf: {  	[smem:$0x3FAF] =	sst s7  }
0x10: {  	[smem:$0x3FB0] =	sst s8  }
0x11: {  	[smem:$0x3FB1] =	sst s9;
	s0 =	simm.s32 @!p0 $0x0  }
0x12: {  	s1 =	sld [smem:$0x3F97];
	s0 =	simm.s32 @p0 $0x1  }
0x13: {  	[smem:$0x3FB2] =	sst s0;
	s0 =	simm.s32 @!p1 $0x0  }
0x14: {  	s2 =	sld [smem:$0x3F96];
	s0 =	simm.s32 @p1 $0x1  }
0x15: {  	[smem:$0x3FB3] =	sst s0;
	s0 =	simm.s32 @!p2 $0x0  }
0x16: {  	s3 =	sld [smem:$0x3FDB];
	s0 =	simm.s32 @p2 $0x1  }
0x17: {  	s4 =	simm.s32 $0x1BF5;
	[smem:$0x3FB5] =	sst s0  }
0x18: {  	s0 =	sld [smem:$0x3F98];
	_ =	swait.ge [sflag:s4], $0x0  }
0x19: {  	s7 =	sld [smem:$0x3F99]  }
0x1a: {  	s8 =	sadd.s32 $0xFFFFE003, lr  }
0x1b: {  	s9 =	sadd.s32 $0xFFFFFEF7, lr;
	s5 =	simm.s32 $0xFFFFFFFF;
	p2 =	slt.u32 s8, $0xFFFFF086  }
0x1c: {  	p1 =	slt.u32 s9, $0xF7A;
	s5 =	simm.s32 @!p2 $0x0  }
0x1d: {  	s5 =	simm.s32 @p1 $0x1;
	p0 =	seq.s32 s7, s2  }
0x1e: {  	s7 =	smul.u32 @!p0 $0xF7A, s2;
	p2 =	seq.s32 @!p0 s5, $0x0  }
0x1f: {  	s9 =	smul.u32 $0xF7A, s1;
	s8 =	simm.s32 @!p0 $0x1BF5;
	p2 =	por !p2, p0  }
0x20: {  	[sflag:s8] =	ssyncset.s32 @!p0 $0xFFFFF086;
	s6 =	sadd.s32 @!p0 s3, s7;
	s7 =	simm.s32 @!p0 $0x108  }
0x21: {  	s3 =	sadd.s32 s3, s9;
	s6 =	sadd.s32 @!p0 $0x88, s6;
	s7 =	simm.s32 @p2 $0x1082  }
0x22: {  	[simem:s7], [sflag:s8] =	dma.local @!p0 [hbm:s6], $0xF7A  }
0x23: {  	s9 =	sor.u32 $0xD0000000, s2;
	s6 =	simm.s32 $0x108;
	_ =	swait.ge @!p0 [sflag:s8], $0x0  }
0x24: {  	s3 =	sadd.s32 $0x88, s3;
	s6 =	simm.s32 @!p1 $0x1082;
	[sflag:s4] =	ssyncset.s32 $0xFFFFF086  }
0x25: {  	[simem:s6], [sflag:s4] =	dma.local [hbm:s3], $0xF7A  }
0x26: {  	[smem:$0x3F99] =	sst s1;
	(tag) =	ssettag s2;
	_ =	strace s9  }
0x27: {  	s1 =	sld [smem:$0x3FA9]  }
0x28: {  	s2 =	sld [smem:$0x3FAA]  }
0x29: {  	s4 =	sld [smem:$0x3FAC]  }
0x2a: {  	p0 =	seq.s32 s5, $0x0;
	s5 =	sld [smem:$0x3FAD]  }
0x2b: {  	s6 =	sld [smem:$0x3FAE]  }
0x2c: {  	s7 =	sld [smem:$0x3FAF]  }
0x2d: {  	s3 =	simm.s32 $0x108;
	s8 =	sld [smem:$0x3FB0]  }
0x2e: {  	s3 =	simm.s32 @!p0 $0x1082;
	s9 =	sld [smem:$0x3FB1]  }
0x2f: {  	lr =	sadd.s32 s0, s3;
	s0 =	sld [smem:$0x3FA8]  }
0x30: {  	s3 =	sld [smem:$0x3FAB]  }
0x31: {  	[smem:$0x3FB4] =	sst s10  }
0x32: {  	s10 =	sld [smem:$0x3FB2];
	_ =	sdelay $0x3  }
0x33: {  	p0 =	seq.s32 s10, $0x1;
	s10 =	sld [smem:$0x3FB4];
	_ =	sdelay $0x3  }
0x34: {  	[smem:$0x3FB4] =	sst s10  }
0x35: {  	s10 =	sld [smem:$0x3FB3];
	_ =	sdelay $0x3  }
0x36: {  	p1 =	seq.s32 s10, $0x1;
	s10 =	sld [smem:$0x3FB4];
	_ =	sdelay $0x3  }
0x37: {  	[smem:$0x3FB4] =	sst s10  }
0x38: {  	s10 =	sld [smem:$0x3FB5]  }
0x39: {  	_ = 	snop;
	(pc) =	sbr.ind lr, $3  }
0x3a: {  	_ = 	snop  }
0x3b: {  	_ = 	snop  }
0x3c: {  	p2 =	seq.s32 s10, $0x1;
	s10 =	sld [smem:$0x3FB4]  }
0x3d: {  	_ =	shalt  }
0x3e: {  	_ =	shalt  }
0x3f: {  	_ =	shalt  }
0x40: {  	_ =	shalt  }
0x41: {  	_ =	shalt  }
0x42: {  	_ =	shalt  }
0x43: {  	_ =	shalt  }
0x44: {  	_ =	shalt  }
0x45: {  	_ =	shalt  }
0x46: {  	_ =	shalt  }
0x47: {  	_ =	shalt  }
0x48: {  	_ =	shalt  }
0x49: {  	_ =	shalt  }
0x4a: {  	_ =	shalt  }
0x4b: {  	_ =	shalt  }
0x4c: {  	_ =	shalt  }
0x4d: {  	_ =	shalt  }
0x4e: {  	_ =	shalt  }
0x4f: {  	_ =	shalt  }
0x50: {  	_ =	shalt  }
0x51: {  	_ =	shalt  }
0x52: {  	_ =	shalt  }
0x53: {  	_ =	shalt  }
0x54: {  	_ =	shalt  }
0x55: {  	_ =	shalt  }
0x56: {  	_ =	shalt  }
0x57: {  	_ =	shalt  }
0x58: {  	_ =	shalt  }
0x59: {  	_ =	shalt  }
0x5a: {  	_ =	shalt  }
0x5b: {  	_ =	shalt  }
0x5c: {  	_ =	shalt  }
0x5d: {  	_ =	shalt  }
0x5e: {  	_ =	shalt  }
0x5f: {  	_ =	shalt  }
0x60: {  	_ =	shalt  }
0x61: {  	_ =	shalt  }
0x62: {  	_ =	shalt  }
0x63: {  	_ =	shalt  }
0x64: {  	_ =	shalt  }
0x65: {  	_ =	shalt  }
0x66: {  	_ =	shalt  }
0x67: {  	_ =	shalt  }
0x68: {  	_ =	shalt  }
0x69: {  	_ =	shalt  }
0x6a: {  	_ =	shalt  }
0x6b: {  	_ =	shalt  }
0x6c: {  	_ =	shalt  }
0x6d: {  	_ =	shalt  }
0x6e: {  	_ =	shalt  }
0x6f: {  	_ =	shalt  }
0x70: {  	_ =	shalt  }
0x71: {  	_ =	shalt  }
0x72: {  	_ =	shalt  }
0x73: {  	_ =	shalt  }
0x74: {  	_ =	shalt  }
0x75: {  	_ =	shalt  }
0x76: {  	_ =	shalt  }
0x77: {  	_ =	shalt  }
0x78: {  	_ =	shalt  }
0x79: {  	_ =	shalt  }
0x7a: {  	_ =	shalt  }
0x7b: {  	_ =	shalt  }
0x7c: {  	_ =	shalt  }
0x7d: {  	_ =	shalt  }
0x7e: {  	_ =	shalt  }
0x7f: {  	_ =	shalt  }
0x80: {  	_ =	shalt  }
0x81: {  	_ =	shalt  }
0x82: {  	_ =	shalt  }
0x83: {  	_ =	shalt  }
0x84: {  	_ =	shalt  }
0x85: {  	_ =	shalt  }
0x86: {  	_ =	shalt  }
0x87: {  	_ =	shalt  }
.Lfunc_end0:
.L_simem_size_0:
called_computation_lowered:
.L_overlay_start_0:
0x88: {  	s2 =	sld [smem:$0x3FD9]  }
0x89: {  	s3 =	sld [smem:$0x3FFE];
	_ =	sdelay $0x1  }
0x8a: {  	s1 =	srdreg.scid  }
0x8b: {  	s0 =	sand.u32 $0x1, s1  }
0x8c: {  	s16 =	sshll.u32 s0, $0xA;
	s2 =	sadd.s32 s3, s2  }
0x8d: {  	s2 =	sadd.s32 s2, s16  }
0x8e: {  	[smem:$0x3FC0] =	sst s2  }
0x8f: {  	_ = 	snop  }
0x90: {  	(tm) =	ssettm $0x1  }
0x91: {  	s17 =	sld [smem:$0x3FFB];
	_ =	sdelay $0x3  }
0x92: {  	_ =	strace s17  }
0x93: {  	s2 =	sld [smem:$0x3FFC];
	_ =	sdelay $0x3  }
0x94: {  	_ =	strace s2  }
0x95: {  	s2 =	sld [smem:$0x3FFD];
	_ =	sdelay $0x3  }
0x96: {  	_ =	strace s2  }
0x97: {  	_ =	strace $0x8FFFFFFF  }
0x98: {  	s18 =	sld [smem:$0x3FDB];
	_ =	sdelay $0x1  }
0x99: {  	s19 =	simm.s32 $_scs_section_size  }
0x9a: {  	s4 =	simm.s32 $_size__tile_overlayer_lowered;
	s5 =	simm.s32 $_tile_overlayer_lowered  }
0x9b: {  	s22 =	simm.s32 $0x1BFF;
	s21 =	sshll.u32 s5, $0x1;
	s2 =	sadd.s32 s19, s18  }
0x9c: {  	s6 =	simm.s32 $0x0;
	s20 =	sshll.u32 s4, $0x1;
	s4 =	sadd.s32 s21, s2  }
0x9d: {  	[timem:s6], [sflag:s22] =	dma.local [hbm:s4], s20  }
0x9e: {  	_ =	swait.ge [sflag:s22], s20  }
0x9f: {  	s3 =	ssub.s32 $0x0, s20;
	[sflag:s22] =	ssyncset.done $0x0  }
0xa0: {  	[sflag:s22] =	ssyncadd.s32 s3;
	_ =	sdelay $0x1  }
0xa1: {  	s23 =	simm.s32 $0x1B8B  }
0xa2: {  	_ =	swait.ge [sflag:s23], $0x1  }
0xa3: {  	[sflag:s23] =	ssyncset.done $0x0  }
0xa4: {  	s25 =	simm.s32 $0x1B8E;
	s24 =	sld [smem:$0x3FFE];
	[sflag:s23] =	ssyncadd.s32 $0xFFFFFFFF  }
0xa5: {  	s26 =	simm.s32 $execute0_lowered;
	[smem:$0x3FD2] =	sst s25  }
0xa6: {  	s4 =	sshll.u32 s26, $0x1;
	_ =	strace $0x80000046;
	[dreg:$0x1] =	wrdreg $0xFFFFFFFF  }
0xa7: {  	s28 =	simm.s32 $_size_execute0_lowered;
	s2 =	sadd.s32 s2, s4;
	[dreg:$0x0] =	wrdreg $0x0  }
0xa8: {  	s4 =	sshll.u32 s28, $0x1;
	[dreg:$0x2] =	wrdreg s2  }
0xa9: {  	[dreg:$0x3] =	wrdreg s4  }
0xaa: {  	[dreg:$0x4] =	wrdreg $0xC0  }
0xab: {  	_ =	task [dreg:s6], $0x5FFFF  }
0xac: {  	[dreg:$0x1] =	wrdreg $0xFFFFFFFF  }
0xad: {  	[dreg:$0x0] =	wrdreg $0x60  }
0xae: {  	[dreg:$0x2] =	wrdreg s24  }
0xaf: {  	[dreg:$0x3] =	wrdreg $0x4F000  }
0xb0: {  	[dreg:$0x4] =	wrdreg $0x9  }
0xb1: {  	_ =	task.clear_ibuf [dreg:s6], $0x5FFFF;
	_ =	strace $0x90000046  }
0xb2: {  	s29 =	simm.s32 $0x9;
	_ =	strace $0x80000048  }
0xb3: {  	_ =	swait.ge [sflag:s29], $0x1  }
0xb4: {  	[sflag:s29] =	ssyncadd.s32 $0xFFFFFFFF  }
0xb5: {  	_ =	strace $0x90000048  }
0xb6: {  	_ =	sfence  }
0xb7: {  	s30 =	sld [smem:$0x0];
	_ =	sdelay $0x2  }
0xb8: {  	s31 =	sshll.u32 s1, $0xD;
	s1 =	sshrl.u32 s1, $0x2  }
0xb9: {  	s3 =	sand.u32 $0x4000, s31;
	s1 =	sadd.s32 s1, s30  }
0xba: {  	s0 =	sor.u32 s3, s0;
	s1 =	sshll.u32 s1, $0x11  }
0xbb: {  	s0 =	sor.u32 s1, s0  }
0xbc: {  	s0 =	sadd.s32 $0x8F2B, s0  }
0xbd: {  	[sflag:s0] =	ssyncadd.remote.s32 $0x1  }
0xbe: {  	_ =	sfence.sel $0xFFFF  }
0xbf: {  	[dreg:$0x0] =	wrdreg $0xFFFFFFFF;
	(pc) =	sbr.abs _section_cstart, $3  }
0xc0: {  	[dreg:$0x1] =	wrdreg $0xFFFFFFFF  }
0xc1: {  	_ =	task.clear_ibuf [dreg:s6], $0x2FFFF;
	_ =	strace $0x9FFFFFFF  }
0xc2: {  	(tm) =	ssettm $0x7FFFFFFF  }
0xc3: {  	_ =	shalt  }
tec
execute0_lowered:
.L_overlay_start_1:
0x0: {  	(tag) =	ssettag $0x1  }
0x1: {  	s12 =	rddreg [dreg:$0x0];
	s1 =	stileid.u32  }
0x2: {  	s2 =	rddreg [dreg:$0x1];
	s4 =	smul.u32 $0xA00, s1  }
0x3: {  	s0 =	rddreg [dreg:$0x2];
	s3 =	simm.s32 $0x0  }
0x4: {  	[smem:$0x7FF] =	sst s3;
	s28 =	sshll.u32 s1, $0x6;
	s5 =	sshrl.u32 s4, $0x2  }
0x5: {  	_ =	strace $0x80000047;
	s4 =	sadd.s32 $0xC200, s12;
	s6 =	sadd.s32 s5, s2  }
0x6: {  	s5 =	sor.u32 $0x1C01, s28;
	s7 =	sshrl.u32 s6, $0x3;
	s6 =	simm.s32 $0x1  }
0x7: {  	[spmem:s7], [sflag:s5] =	dma.local [hbm:s4], $0x50  }
0x8: {  	s8 =	srdreg.scid;
	s9 =	simm.s32 $0x2780;
	_ =	swait.ge [sflag:s6], $0x50  }
0x9: {  	s11 =	sand.u32 $0x1, s8;
	s29 =	sshll.u32 s1, $0x1;
	[sflag:s6] =	ssyncset.done $0x0  }
0xa: {  	s8 =	sadd.s32 $0xC400, s12;
	s10 =	sor.u32 s11, s29;
	[sflag:s6] =	ssyncadd.s32 $0xFFFFFFB0  }
0xb: {  	[tilespmem:s9], [sflag:$0x1] =	stream.linear.gather [hbm4b:s8+s3], $0x2780, $0x38;
	[tilespmem:$0x5180] =	vst v63  }
0xc: {  	s10 =	smul.u32 $0x4E2, s10;
	_ =	swait.ge [sflag:s6], $0x2780  }
0xd: {  	[sflag:s6] =	ssyncset.done $0x0  }
0xe: {  	s10 =	sadd.s32 s10, s12;
	[sflag:s6] =	ssyncadd.s32 $0xFFFFD880  }
0xf: {  	s13 =	smul.u32 $0x500, s1;
	s10 =	sadd.s32 $0x2400, s10;
	[bflag:$0x0] =	sbarrier.arrive $0xFFFF  }
0x10: {  	[tilespmem:s3], [sflag:$0x1] =	stream.linear.gather [hbm4b:s10+s3], $0x2710, $0x38;
	[tilespmem:$0x5180] =	vst v63  }
0x11: {  	s14 =	sshll.u32 s11, $0x7;
	s30 =	ssub.s32 $0x2, s11;
	_ =	swait.ge [sflag:s6], $0x2710  }
0x12: {  	s11 =	simm.s32 $0x2710;
	s15 =	sshrl.u32 s30, $0x1;
	[sflag:s6] =	ssyncset.done $0x0  }
0x13: {  	s13 =	sor.u32 s14, s13;
	s31 =	ssub.s32 s30, s15;
	[sflag:s6] =	ssyncadd.s32 $0xFFFFD8F0  }
0x14: {  	[spmem:s2] =	stream.indirect.scatter.add.f32 [tilespmem:s9], [sflag:$0x1], $0x1, s3, s11, $0xb8;
	[tilespmem:$0x5180] =	vst v63  }
0x15: {  	s14 =	simm.s32 $0x10;
	s15 =	smax.u32 s31, $0x1;
	_ =	swait.ge [sflag:s6], $0x2710  }
0x16: {  	s13 =	sshrl.u32 s13, $0x3;
	p0 =	sne.s32 s15, $0x1;
	[sflag:s6] =	ssyncset.done $0x0  }
.Ltmp0:
0x17: {  	s12 =	sadd.s32 s13, s12;
	[sflag:s6] =	ssyncadd.s32 $0xFFFFD8F0;
	(pc) =	sbr.rel @!p0 .LBB2_2-.Ltmp0, $4  }
0x18: {  	s13 =	simm.s32 $0x20;
	s12 =	sadd.s32 $0xCA00, s12;
	[bflag:$0x0] =	sbarrier.arrive $0xFFFF  }
0x19: {  	[hbm:s12@s13], [sflag:s5] =	dma.strided [spmem:s7@s14], $0x50, s6, $0x10   }
0x1a: {  	_ =	swait.ge [sflag:s6], $0x50  }
0x1b: {  	s15 =	sadd.s32 $0xFFFFFFFF, s15;
	[sflag:s6] =	ssyncset.done $0x0  }
.LBB2_1:
0x1c: {  	p0 =	sne.s32 s15, $0x1;
	s15 =	sadd.s32 $0xFFFFFFFF, s15;
	[sflag:s6] =	ssyncadd.s32 $0xFFFFFFB0  }
0x1d: {  	[spmem:s7], [sflag:s5] =	dma.local [hbm:s4], $0x50  }
0x1e: {  	_ =	swait.ge [sflag:s6], $0x50  }
0x1f: {  	[sflag:s6] =	ssyncset.done $0x0  }
0x20: {  	[sflag:s6] =	ssyncadd.s32 $0xFFFFFFB0  }
0x21: {  	[tilespmem:s9], [sflag:$0x1] =	stream.linear.gather [hbm4b:s8+s3], $0x2780, $0x38;
	[tilespmem:$0x5180] =	vst v63  }
0x22: {  	_ =	swait.ge [sflag:s6], $0x2780  }
0x23: {  	[sflag:s6] =	ssyncset.done $0x0  }
0x24: {  	[sflag:s6] =	ssyncadd.s32 $0xFFFFD880  }
0x25: {  	[bflag:$0x0] =	sbarrier.arrive $0xFFFF  }
0x26: {  	[tilespmem:s3], [sflag:$0x1] =	stream.linear.gather [hbm4b:s10+s3], $0x2710, $0x38;
	[tilespmem:$0x5180] =	vst v63  }
0x27: {  	_ =	swait.ge [sflag:s6], $0x2710  }
0x28: {  	[sflag:s6] =	ssyncset.done $0x0  }
0x29: {  	[sflag:s6] =	ssyncadd.s32 $0xFFFFD8F0  }
0x2a: {  	[spmem:s2] =	stream.indirect.scatter.add.f32 [tilespmem:s9], [sflag:$0x1], $0x1, s3, s11, $0xb8;
	[tilespmem:$0x5180] =	vst v63  }
0x2b: {  	_ =	swait.ge [sflag:s6], $0x2710  }
0x2c: {  	[sflag:s6] =	ssyncset.done $0x0  }
.Ltmp1:
0x2d: {  	[sflag:s6] =	ssyncadd.s32 $0xFFFFD8F0;
	(pc) =	sbr.rel @p0 .LBB2_1-.Ltmp1, $4  }
0x2e: {  	[bflag:$0x0] =	sbarrier.arrive $0xFFFF  }
0x2f: {  	[hbm:s12@s13], [sflag:s5] =	dma.strided [spmem:s7@s14], $0x50, s6, $0x10   }
0x30: {  	_ =	swait.ge [sflag:s6], $0x50  }
0x31: {  	[sflag:s6] =	ssyncset.done $0x0  }
.LBB2_2:
0x32: {  	[sflag:s6] =	ssyncadd.s32 $0xFFFFFFB0  }
0x33: {  	_ =	sfence.sel $0x180000  }
0x34: {  	[bflag:$0x0] =	sbarrier.arrive $0xFFFF  }
0x35: {  	p0 =	sne.s32 s1, $0x0;
	_ =	strace $0x90000047  }
0x36: {  	s0 =	sadd.s32 @!p0 $0x100000, s0;
	[bflag:$0x2] =	sbarrier.arrive $0xFFFF  }
0x37: {  	[sflag:s0] =	ssyncadd.tile.s32 @!p0 $0x1;
	_ =	shalt  }
.Lfunc_end2:
_tile_overlayer_lowered:
.L_overlay_start_2:
0x38: {  	(tag) =	ssettag $0x2  }
0x39: {  	s0 =	rddreg [dreg:$0x0];
	s2 =	stileid.u32  }
0x3a: {  	s1 =	rddreg [dreg:$0x1];
	p0 =	sne.s32 s2, $0x0  }
0x3b: {  	s3 =	rddreg [dreg:$0x2];
	[bflag:$0x3] =	sbarrier.arrive $0xFFFF;
	s2 =	simm.s32 @!p0 $0x1C01  }
0x3c: {  	[timem:s3], [sflag:s2] =	dma.local @!p0 [hbm:s0], s1  }
0x3d: {  	s0 =	simm.s32 @!p0 $0x1  }
0x3e: {  	_ =	swait.ge @!p0 [sflag:s0], s1  }
0x3f: {  	s1 =	ssub.s32 @!p0 $0x0, s1;
	[sflag:s0] =	ssyncset.done @!p0 $0x0  }
0x40: {  	[sflag:s0] =	ssyncadd.s32 @!p0 s1  }
0x41: {  	[bflag:$0x3] =	sbarrier.arrive $0xFFFF  }
0x42: {  	_ =	shalt  }

// kernel: kernel.9.cloned.1.call-start
scs
__scs_entry_jumppad:
0x0: {  	(pc) =	sbr.rel $0x88, $3  }
0x1: {  	(tag) =	ssettag $0x0;
	lr =	simm.s32 $0x1  }
0x2: {  	[smem:$0x3F99] =	sst lr;
	_ =	strace $0xD0000000  }
0x3: {  	_ = 	snop  }
0x4: {  	_ = 	snop  }
0x5: {  	_ = 	snop  }
0x6: {  	_ = 	snop  }
0x7: {  	_ = 	snop  }
__scs_overlays_trampoline_lowered:
0x8: {  	[smem:$0x3FA8] =	sst s0  }
0x9: {  	[smem:$0x3FA9] =	sst s1  }
0xa: {  	[smem:$0x3FAA] =	sst s2  }
0xb: {  	[smem:$0x3FAB] =	sst s3  }
0xc: {  	[smem:$0x3FAC] =	sst s4  }
0xd: {  	[smem:$0x3FAD] =	sst s5  }
0xe: {  	[smem:$0x3FAE] =	sst s6  }
0xf: {  	[smem:$0x3FAF] =	sst s7  }
0x10: {  	[smem:$0x3FB0] =	sst s8  }
0x11: {  	[smem:$0x3FB1] =	sst s9;
	s0 =	simm.s32 @!p0 $0x0  }
0x12: {  	s1 =	sld [smem:$0x3F97];
	s0 =	simm.s32 @p0 $0x1  }
0x13: {  	[smem:$0x3FB2] =	sst s0;
	s0 =	simm.s32 @!p1 $0x0  }
0x14: {  	s2 =	sld [smem:$0x3F96];
	s0 =	simm.s32 @p1 $0x1  }
0x15: {  	[smem:$0x3FB3] =	sst s0;
	s0 =	simm.s32 @!p2 $0x0  }
0x16: {  	s3 =	sld [smem:$0x3FDB];
	s0 =	simm.s32 @p2 $0x1  }
0x17: {  	s4 =	simm.s32 $0x1BF5;
	[smem:$0x3FB5] =	sst s0  }
0x18: {  	s0 =	sld [smem:$0x3F98];
	_ =	swait.ge [sflag:s4], $0x0  }
0x19: {  	s7 =	sld [smem:$0x3F99]  }
0x1a: {  	s8 =	sadd.s32 $0xFFFFE003, lr  }
0x1b: {  	s9 =	sadd.s32 $0xFFFFFEF7, lr;
	s5 =	simm.s32 $0xFFFFFFFF;
	p2 =	slt.u32 s8, $0xFFFFF086  }
0x1c: {  	p1 =	slt.u32 s9, $0xF7A;
	s5 =	simm.s32 @!p2 $0x0  }
0x1d: {  	s5 =	simm.s32 @p1 $0x1;
	p0 =	seq.s32 s7, s2  }
0x1e: {  	s7 =	smul.u32 @!p0 $0xF7A, s2;
	p2 =	seq.s32 @!p0 s5, $0x0  }
0x1f: {  	s9 =	smul.u32 $0xF7A, s1;
	s8 =	simm.s32 @!p0 $0x1BF5;
	p2 =	por !p2, p0  }
0x20: {  	[sflag:s8] =	ssyncset.s32 @!p0 $0xFFFFF086;
	s6 =	sadd.s32 @!p0 s3, s7;
	s7 =	simm.s32 @!p0 $0x108  }
0x21: {  	s3 =	sadd.s32 s3, s9;
	s6 =	sadd.s32 @!p0 $0x88, s6;
	s7 =	simm.s32 @p2 $0x1082  }
0x22: {  	[simem:s7], [sflag:s8] =	dma.local @!p0 [hbm:s6], $0xF7A  }
0x23: {  	s9 =	sor.u32 $0xD0000000, s2;
	s6 =	simm.s32 $0x108;
	_ =	swait.ge @!p0 [sflag:s8], $0x0  }
0x24: {  	s3 =	sadd.s32 $0x88, s3;
	s6 =	simm.s32 @!p1 $0x1082;
	[sflag:s4] =	ssyncset.s32 $0xFFFFF086  }
0x25: {  	[simem:s6], [sflag:s4] =	dma.local [hbm:s3], $0xF7A  }
0x26: {  	[smem:$0x3F99] =	sst s1;
	(tag) =	ssettag s2;
	_ =	strace s9  }
0x27: {  	s1 =	sld [smem:$0x3FA9]  }
0x28: {  	s2 =	sld [smem:$0x3FAA]  }
0x29: {  	s4 =	sld [smem:$0x3FAC]  }
0x2a: {  	p0 =	seq.s32 s5, $0x0;
	s5 =	sld [smem:$0x3FAD]  }
0x2b: {  	s6 =	sld [smem:$0x3FAE]  }
0x2c: {  	s7 =	sld [smem:$0x3FAF]  }
0x2d: {  	s3 =	simm.s32 $0x108;
	s8 =	sld [smem:$0x3FB0]  }
0x2e: {  	s3 =	simm.s32 @!p0 $0x1082;
	s9 =	sld [smem:$0x3FB1]  }
0x2f: {  	lr =	sadd.s32 s0, s3;
	s0 =	sld [smem:$0x3FA8]  }
0x30: {  	s3 =	sld [smem:$0x3FAB]  }
0x31: {  	[smem:$0x3FB4] =	sst s10  }
0x32: {  	s10 =	sld [smem:$0x3FB2];
	_ =	sdelay $0x3  }
0x33: {  	p0 =	seq.s32 s10, $0x1;
	s10 =	sld [smem:$0x3FB4];
	_ =	sdelay $0x3  }
0x34: {  	[smem:$0x3FB4] =	sst s10  }
0x35: {  	s10 =	sld [smem:$0x3FB3];
	_ =	sdelay $0x3  }
0x36: {  	p1 =	seq.s32 s10, $0x1;
	s10 =	sld [smem:$0x3FB4];
	_ =	sdelay $0x3  }
0x37: {  	[smem:$0x3FB4] =	sst s10  }
0x38: {  	s10 =	sld [smem:$0x3FB5]  }
0x39: {  	_ = 	snop;
	(pc) =	sbr.ind lr, $3  }
0x3a: {  	_ = 	snop  }
0x3b: {  	_ = 	snop  }
0x3c: {  	p2 =	seq.s32 s10, $0x1;
	s10 =	sld [smem:$0x3FB4]  }
0x3d: {  	_ =	shalt  }
0x3e: {  	_ =	shalt  }
0x3f: {  	_ =	shalt  }
0x40: {  	_ =	shalt  }
0x41: {  	_ =	shalt  }
0x42: {  	_ =	shalt  }
0x43: {  	_ =	shalt  }
0x44: {  	_ =	shalt  }
0x45: {  	_ =	shalt  }
0x46: {  	_ =	shalt  }
0x47: {  	_ =	shalt  }
0x48: {  	_ =	shalt  }
0x49: {  	_ =	shalt  }
0x4a: {  	_ =	shalt  }
0x4b: {  	_ =	shalt  }
0x4c: {  	_ =	shalt  }
0x4d: {  	_ =	shalt  }
0x4e: {  	_ =	shalt  }
0x4f: {  	_ =	shalt  }
0x50: {  	_ =	shalt  }
0x51: {  	_ =	shalt  }
0x52: {  	_ =	shalt  }
0x53: {  	_ =	shalt  }
0x54: {  	_ =	shalt  }
0x55: {  	_ =	shalt  }
0x56: {  	_ =	shalt  }
0x57: {  	_ =	shalt  }
0x58: {  	_ =	shalt  }
0x59: {  	_ =	shalt  }
0x5a: {  	_ =	shalt  }
0x5b: {  	_ =	shalt  }
0x5c: {  	_ =	shalt  }
0x5d: {  	_ =	shalt  }
0x5e: {  	_ =	shalt  }
0x5f: {  	_ =	shalt  }
0x60: {  	_ =	shalt  }
0x61: {  	_ =	shalt  }
0x62: {  	_ =	shalt  }
0x63: {  	_ =	shalt  }
0x64: {  	_ =	shalt  }
0x65: {  	_ =	shalt  }
0x66: {  	_ =	shalt  }
0x67: {  	_ =	shalt  }
0x68: {  	_ =	shalt  }
0x69: {  	_ =	shalt  }
0x6a: {  	_ =	shalt  }
0x6b: {  	_ =	shalt  }
0x6c: {  	_ =	shalt  }
0x6d: {  	_ =	shalt  }
0x6e: {  	_ =	shalt  }
0x6f: {  	_ =	shalt  }
0x70: {  	_ =	shalt  }
0x71: {  	_ =	shalt  }
0x72: {  	_ =	shalt  }
0x73: {  	_ =	shalt  }
0x74: {  	_ =	shalt  }
0x75: {  	_ =	shalt  }
0x76: {  	_ =	shalt  }
0x77: {  	_ =	shalt  }
0x78: {  	_ =	shalt  }
0x79: {  	_ =	shalt  }
0x7a: {  	_ =	shalt  }
0x7b: {  	_ =	shalt  }
0x7c: {  	_ =	shalt  }
0x7d: {  	_ =	shalt  }
0x7e: {  	_ =	shalt  }
0x7f: {  	_ =	shalt  }
0x80: {  	_ =	shalt  }
0x81: {  	_ =	shalt  }
0x82: {  	_ =	shalt  }
0x83: {  	_ =	shalt  }
0x84: {  	_ =	shalt  }
0x85: {  	_ =	shalt  }
0x86: {  	_ =	shalt  }
0x87: {  	_ =	shalt  }
.Lfunc_end0:
.L_simem_size_0:
called_computation.1_lowered:
.L_overlay_start_0:
0x88: {  	s2 =	sld [smem:$0x3FD9]  }
0x89: {  	s3 =	sld [smem:$0x3FFE];
	_ =	sdelay $0x1  }
0x8a: {  	s1 =	srdreg.scid  }
0x8b: {  	s0 =	sand.u32 $0x1, s1  }
0x8c: {  	s17 =	sshll.u32 s0, $0xA;
	s2 =	sadd.s32 s3, s2  }
0x8d: {  	s2 =	sadd.s32 s2, s17  }
0x8e: {  	[smem:$0x3FC0] =	sst s2  }
0x8f: {  	_ = 	snop  }
0x90: {  	s2 =	sld [smem:$0x3FD0];
	(tm) =	ssettm $0x1  }
0x91: {  	s18 =	sld [smem:$0x3FFB];
	_ =	sdelay $0x3  }
0x92: {  	_ =	strace s18  }
0x93: {  	s3 =	sld [smem:$0x3FFC];
	_ =	sdelay $0x3  }
0x94: {  	_ =	strace s3  }
0x95: {  	s3 =	sld [smem:$0x3FFD];
	_ =	sdelay $0x3  }
0x96: {  	_ =	strace s3  }
0x97: {  	_ =	strace $0x8FFFFFFF  }
0x98: {  	s19 =	sld [smem:$0x3FDB];
	_ =	sdelay $0x1  }
0x99: {  	s4 =	simm.s32 $_scs_section_size  }
0x9a: {  	s5 =	simm.s32 $_size__tile_overlayer_lowered;
	s6 =	simm.s32 $_tile_overlayer_lowered  }
0x9b: {  	s22 =	simm.s32 $0x1BFF;
	s21 =	sshll.u32 s6, $0x1;
	s3 =	sadd.s32 s4, s19  }
0x9c: {  	s7 =	simm.s32 $0x0;
	s20 =	sshll.u32 s5, $0x1;
	s5 =	sadd.s32 s21, s3  }
0x9d: {  	[timem:s7], [sflag:s22] =	dma.local [hbm:s5], s20  }
0x9e: {  	_ =	swait.ge [sflag:s22], s20  }
0x9f: {  	s4 =	ssub.s32 $0x0, s20;
	[sflag:s22] =	ssyncset.done $0x0  }
0xa0: {  	[sflag:s22] =	ssyncadd.s32 s4;
	_ =	sdelay $0x1  }
0xa1: {  	s23 =	simm.s32 $0x1B8B  }
0xa2: {  	_ =	swait.ge [sflag:s23], $0x1  }
0xa3: {  	[sflag:s23] =	ssyncset.done $0x0  }
0xa4: {  	s25 =	simm.s32 $0x1B8E;
	s24 =	sld [smem:$0x3FFE];
	[sflag:s23] =	ssyncadd.s32 $0xFFFFFFFF  }
0xa5: {  	s26 =	simm.s32 $execute0_lowered;
	[smem:$0x3FD2] =	sst s25  }
0xa6: {  	s5 =	sshll.u32 s26, $0x1;
	_ =	strace $0x80000049;
	[dreg:$0x1] =	wrdreg $0xFFFFFFFF  }
0xa7: {  	s28 =	simm.s32 $_size_execute0_lowered;
	s3 =	sadd.s32 s3, s5;
	[dreg:$0x0] =	wrdreg $0x0  }
0xa8: {  	s5 =	sshll.u32 s28, $0x1;
	[dreg:$0x2] =	wrdreg s3  }
0xa9: {  	[dreg:$0x3] =	wrdreg s5  }
0xaa: {  	[dreg:$0x4] =	wrdreg $0xC0  }
0xab: {  	_ =	task [dreg:s7], $0x5FFFF  }
0xac: {  	[dreg:$0x1] =	wrdreg $0xFFFFFFFF  }
0xad: {  	[dreg:$0x0] =	wrdreg $0x60  }
0xae: {  	[dreg:$0x2] =	wrdreg s24  }
0xaf: {  	[dreg:$0x3] =	wrdreg s2  }
0xb0: {  	[dreg:$0x4] =	wrdreg $0xB4000  }
0xb1: {  	[dreg:$0x5] =	wrdreg $0x9  }
0xb2: {  	_ =	task.clear_ibuf [dreg:s7], $0x6FFFF;
	_ =	strace $0x90000049  }
0xb3: {  	s29 =	simm.s32 $0x9;
	_ =	strace $0x8000004B  }
0xb4: {  	_ =	swait.ge [sflag:s29], $0x1  }
0xb5: {  	[sflag:s29] =	ssyncadd.s32 $0xFFFFFFFF  }
0xb6: {  	_ =	strace $0x9000004B  }
0xb7: {  	_ =	sfence  }
0xb8: {  	s30 =	sld [smem:$0x0];
	_ =	sdelay $0x2  }
0xb9: {  	s31 =	sshll.u32 s1, $0xD;
	s1 =	sshrl.u32 s1, $0x2  }
0xba: {  	s3 =	sand.u32 $0x4000, s31;
	s1 =	sadd.s32 s1, s30  }
0xbb: {  	s0 =	sor.u32 s3, s0;
	s1 =	sshll.u32 s1, $0x11  }
0xbc: {  	s0 =	sor.u32 s1, s0  }
0xbd: {  	s0 =	sadd.s32 $0x8F2B, s0  }
0xbe: {  	[sflag:s0] =	ssyncadd.remote.s32 $0x1  }
0xbf: {  	_ =	sfence.sel $0xFFFF  }
0xc0: {  	[dreg:$0x0] =	wrdreg $0xFFFFFFFF;
	(pc) =	sbr.abs _section_cstart, $3  }
0xc1: {  	[dreg:$0x1] =	wrdreg $0xFFFFFFFF  }
0xc2: {  	_ =	task.clear_ibuf [dreg:s7], $0x2FFFF;
	_ =	strace $0x9FFFFFFF  }
0xc3: {  	(tm) =	ssettm $0x7FFFFFFF  }
tec
execute0_lowered:
.L_overlay_start_1:
0x0: {  	(tag) =	ssettag $0x1  }
0x1: {  	s0 =	rddreg [dreg:$0x0]  }
0x2: {  	s1 =	rddreg [dreg:$0x1]  }
0x3: {  	s2 =	rddreg [dreg:$0x2]  }
0x4: {  	s3 =	srdreg.scid;
	s4 =	simm.s32 $0x0;
	s13 =	stileid.u32  }
0x5: {  	s28 =	simm.s32 $0x5;
	s29 =	simm.s32 $0x1;
	s30 =	simm.s32 $0x2  }
0x6: {  	s31 =	simm.s32 $0x3;
	s3 =	sand.u32 $0x1, s3;
	s8 =	smul.u32 $0x14000, s13  }
0x7: {  	[smem:$0x7FF] =	sst s4;
	s5 =	sadd.s32 $0x17400, s0;
	s10 =	smul.u32 $0x50000, s13  }
0x8: {  	s6 =	sadd.s32 $0xD400, s0;
	s9 =	sadd.s32 $0x2400, s0;
	s22 =	smul.u32 $0x27E0, s13  }
0x9: {  	s21 =	sshll.u32 s13, $0x6;
	s7 =	smul.u32 $0x140000, s3;
	_ =	strace $0x8000004A  }
0xa: {  	[dreg:$0x4] =	wrdreg s9;
	s17 =	sshll.u32 s3, $0x4;
	s18 =	ssub.s32 $0x2, s3  }
0xb: {  	s3 =	smul.u32 $0x27E00, s3;
	[dreg:$0x5] =	wrdreg s21;
	s11 =	sshrl.u32 s18, $0x1  }
0xc: {  	s20 =	sshrl.u32 s10, $0x2;
	s7 =	sadd.s32 s8, s7;
	s8 =	sor.u32 s13, s17  }
0xd: {  	s19 =	ssub.s32 s18, s11;
	s9 =	sadd.s32 s20, s2;
	s3 =	sadd.s32 s22, s3  }
0xe: {  	s20 =	simm.s32 $0x6;
	s22 =	simm.s32 $0xB0;
	s7 =	sshrl.u32 s7, $0x3  }
0xf: {  	s12 =	smul.u32 $0x27E0, s8;
	s8 =	sor.u32 $0x1C05, s21;
	s15 =	sadd.s32 $0x210, s3  }
0x10: {  	s18 =	sadd.s32 $0x160, s3;
	s21 =	simm.s32 $0x100;
	s3 =	simm.s32 $0x0  }
0x11: {  	s0 =	sadd.s32 s7, s0;
	[dreg:$0x6] =	wrdreg s8;
	s26 =	sshrl.u32 s15, $0x3  }
0x12: {  	s15 =	smax.u32 s19, $0x1;
	s19 =	sshrl.u32 s9, $0x3;
	s12 =	sshrl.u32 s12, $0x3  }
0x13: {  	s14 =	sadd.s32 $0x3F400, s0;
	s16 =	sadd.s32 s26, s6;
	s17 =	sadd.s32 s26, s1  }
0x14: {  	s26 =	simm.s32 $0x5C00;
	s0 =	simm.s32 $0x4;
	s23 =	sadd.s32 s1, s12  }
0x15: {  	s24 =	sadd.s32 $0x16, s12;
	s25 =	sadd.s32 s6, s12;
	[dreg:$0x7] =	wrdreg s23  }
0x16: {  	[dreg:$0x8] =	wrdreg s25;
	s12 =	sadd.s32 s1, s24;
	s13 =	sadd.s32 s6, s24  }
0x17: {  	s23 =	simm.s32 $0x400;
	s24 =	simm.s32 $0x200;
	s25 =	simm.s32 $0x300  }
.LBB2_1:
0x18: {  	s7 =	rddreg [dreg:$0x4]  }
0x19: {  	s8 =	rddreg [dreg:$0x6]  }
0x1a: {  	[spmem:s19], [sflag:s8] =	dma.local [hbm:s7], $0x2800  }
0x1b: {  	s7 =	rddreg [dreg:$0x7]  }
0x1c: {  	[tilespmem:s4], [sflag:$0x6] =	stream.linear.gather [hbm4b:s7+s4], $0xB0, $0x38;
	[tilespmem:$0x1F400] =	vst v63  }
0x1d: {  	_ =	swait.ge [sflag:s20], $0xB0  }
0x1e: {  	[sflag:s20] =	ssyncset.done $0x0  }
0x1f: {  	s11 =	rddreg [dreg:$0x8];
	[sflag:s20] =	ssyncadd.s32 $0xFFFFFF50  }
0x20: {  	[tilespmem:s21], [sflag:$0x6] =	stream.linear.gather [hbm4b:s11+s4], $0xB0, $0x38;
	[tilespmem:$0x1F400] =	vst v63  }
0x21: {  	_ =	swait.ge [sflag:s20], $0xB0  }
0x22: {  	[sflag:s20] =	ssyncset.done $0x0  }
0x23: {  	[sflag:s20] =	ssyncadd.s32 $0xFFFFFF50  }
0x24: {  	[tilespmem:s23], [sflag:$0x1] =	stream.indirect.gather [hbm4b:s5+s22], $0x80, s4, s22, $0xb8;
	[tilespmem:$0x1F400] =	vst v63  }
0x25: {  	_ = 	snop  }
0x26: {  	[tilespmem:s24], [sflag:$0x6] =	stream.linear.gather [hbm4b:s12+s4], $0xB0, $0x38;
	[tilespmem:$0x1F400] =	vst v63  }
0x27: {  	_ =	swait.ge [sflag:s20], $0xB0  }
0x28: {  	[sflag:s20] =	ssyncset.done $0x0  }
0x29: {  	[sflag:s20] =	ssyncadd.s32 $0xFFFFFF50  }
0x2a: {  	[tilespmem:s25], [sflag:$0x6] =	stream.linear.gather [hbm4b:s13+s4], $0xB0, $0x38;
	[tilespmem:$0x1F400] =	vst v63  }
0x2b: {  	_ =	swait.ge [sflag:s20], $0xB0  }
0x2c: {  	[sflag:s20] =	ssyncset.done $0x0  }
0x2d: {  	[sflag:s20] =	ssyncadd.s32 $0xFFFFFF50  }
0x2e: {  	[tilespmem:s26], [sflag:$0x2] =	stream.indirect.gather [hbm4b:s5+s22], $0x80, s24, s22, $0xb8;
	[tilespmem:$0x1F400] =	vst v63  }
0x2f: {  	_ =	swait.ge [sflag:s28], $0x2800  }
0x30: {  	[sflag:s28] =	ssyncset.done $0x0  }
0x31: {  	[sflag:s28] =	ssyncadd.s32 $0xFFFFD800  }
0x32: {  	[bflag:$0x0] =	sbarrier.arrive $0xFFFF  }
0x33: {  	_ =	swait.ge [sflag:s29], $0x5800  }
0x34: {  	[sflag:s29] =	ssyncset.done $0x0  }
0x35: {  	[sflag:s29] =	ssyncadd.s32 $0xFFFFA800  }
0x36: {  	[spmem:s2] =	stream.indirect.scatter.add.f32 [tilespmem:s23], [sflag:$0x3], $0x80, s21, s22, $0xb8;
	[tilespmem:$0x1F400] =	vst v63  }
0x37: {  	_ =	swait.ge [sflag:s30], $0x5800  }
0x38: {  	[sflag:s30] =	ssyncset.done $0x0  }
0x39: {  	[sflag:s30] =	ssyncadd.s32 $0xFFFFA800  }
0x3a: {  	[spmem:s2] =	stream.indirect.scatter.add.f32 [tilespmem:s26], [sflag:$0x4], $0x80, s25, s22, $0xb8;
	[tilespmem:$0x1F400] =	vst v63  }
0x3b: {  	_ =	swait.ge [sflag:s31], $0x5800  }
0x3c: {  	s8 =	sshrl.u32 s18, $0x3;
	[sflag:s31] =	ssyncset.done $0x0  }
0x3d: {  	s9 =	sadd.s32 s1, s8;
	[sflag:s31] =	ssyncadd.s32 $0xFFFFA800  }
0x3e: {  	[tilespmem:s4], [sflag:$0x6] =	stream.linear.gather [hbm4b:s9+s4], $0xB0, $0x38;
	[tilespmem:$0x1F400] =	vst v63  }
0x3f: {  	_ =	swait.ge [sflag:s20], $0xB0  }
0x40: {  	[sflag:s20] =	ssyncset.done $0x0  }
0x41: {  	s7 =	sadd.s32 s6, s8;
	[sflag:s20] =	ssyncadd.s32 $0xFFFFFF50  }
0x42: {  	[tilespmem:s21], [sflag:$0x6] =	stream.linear.gather [hbm4b:s7+s4], $0xB0, $0x38;
	[tilespmem:$0x1F400] =	vst v63  }
0x43: {  	_ =	swait.ge [sflag:s20], $0xB0  }
0x44: {  	[sflag:s20] =	ssyncset.done $0x0  }
0x45: {  	[sflag:s20] =	ssyncadd.s32 $0xFFFFFF50  }
0x46: {  	[tilespmem:s23], [sflag:$0x1] =	stream.indirect.gather [hbm4b:s5+s22], $0x80, s4, s22, $0xb8;
	[tilespmem:$0x1F400] =	vst v63  }
0x47: {  	_ =	swait.ge [sflag:s0], $0x5800  }
0x48: {  	[sflag:s0] =	ssyncset.done $0x0  }
0x49: {  	s10 =	sadd.s32 $0x0, s17;
	[sflag:s0] =	ssyncadd.s32 $0xFFFFA800  }
0x4a: {  	[tilespmem:s24], [sflag:$0x6] =	stream.linear.gather [hbm4b:s10+s4], $0xB0, $0x38;
	[tilespmem:$0x1F400] =	vst v63  }
0x4b: {  	_ =	swait.ge [sflag:s20], $0xB0  }
0x4c: {  	[sflag:s20] =	ssyncset.done $0x0  }
0x4d: {  	s11 =	sadd.s32 $0x0, s16;
	[sflag:s20] =	ssyncadd.s32 $0xFFFFFF50  }
0x4e: {  	[tilespmem:s25], [sflag:$0x6] =	stream.linear.gather [hbm4b:s11+s4], $0xB0, $0x38;
	[tilespmem:$0x1F400] =	vst v63  }
0x4f: {  	_ =	swait.ge [sflag:s20], $0xB0  }
0x50: {  	[sflag:s20] =	ssyncset.done $0x0  }
0x51: {  	s9 =	sadd.s32 $0x160, s18;
	s7 =	simm.s32 $0x2C;
	[sflag:s20] =	ssyncadd.s32 $0xFFFFFF50  }
.LBB2_2:
0x52: {  	[tilespmem:s26], [sflag:$0x2] =	stream.indirect.gather [hbm4b:s5+s22], $0x80, s24, s22, $0xb8;
	[tilespmem:$0x1F400] =	vst v63  }
0x53: {  	s10 =	smov.u32 s7  }
0x54: {  	p0 =	sne.s32 s7, $0x4A4;
	s7 =	sadd.s32 $0x2C, s7;
	_ =	swait.ge [sflag:s29], $0x5800  }
0x55: {  	[sflag:s29] =	ssyncset.done $0x0  }
0x56: {  	[sflag:s29] =	ssyncadd.s32 $0xFFFFA800  }
0x57: {  	[spmem:s2] =	stream.indirect.scatter.add.f32 [tilespmem:s23], [sflag:$0x3], $0x80, s21, s22, $0xb8;
	[tilespmem:$0x1F400] =	vst v63  }
0x58: {  	_ =	swait.ge [sflag:s30], $0x5800  }
0x59: {  	[sflag:s30] =	ssyncset.done $0x0  }
0x5a: {  	[sflag:s30] =	ssyncadd.s32 $0xFFFFA800  }
0x5b: {  	[spmem:s2] =	stream.indirect.scatter.add.f32 [tilespmem:s26], [sflag:$0x4], $0x80, s25, s22, $0xb8;
	[tilespmem:$0x1F400] =	vst v63  }
0x5c: {  	_ =	swait.ge [sflag:s31], $0x5800  }
0x5d: {  	s8 =	sshrl.u32 s9, $0x3;
	[sflag:s31] =	ssyncset.done $0x0  }
0x5e: {  	s11 =	sadd.s32 s1, s8;
	[sflag:s31] =	ssyncadd.s32 $0xFFFFA800  }
0x5f: {  	[tilespmem:s4], [sflag:$0x6] =	stream.linear.gather [hbm4b:s11+s4], $0xB0, $0x38;
	[tilespmem:$0x1F400] =	vst v63  }
0x60: {  	_ =	swait.ge [sflag:s20], $0xB0  }
0x61: {  	[sflag:s20] =	ssyncset.done $0x0  }
0x62: {  	s8 =	sadd.s32 s6, s8;
	[sflag:s20] =	ssyncadd.s32 $0xFFFFFF50  }
0x63: {  	[tilespmem:s21], [sflag:$0x6] =	stream.linear.gather [hbm4b:s8+s4], $0xB0, $0x38;
	[tilespmem:$0x1F400] =	vst v63  }
0x64: {  	_ =	swait.ge [sflag:s20], $0xB0  }
0x65: {  	[sflag:s20] =	ssyncset.done $0x0  }
0x66: {  	[sflag:s20] =	ssyncadd.s32 $0xFFFFFF50  }
0x67: {  	[tilespmem:s23], [sflag:$0x1] =	stream.indirect.gather [hbm4b:s5+s22], $0x80, s4, s22, $0xb8;
	[tilespmem:$0x1F400] =	vst v63  }
0x68: {  	_ =	swait.ge [sflag:s0], $0x5800  }
0x69: {  	[sflag:s0] =	ssyncset.done $0x0  }
0x6a: {  	s8 =	sadd.s32 s10, s17;
	[sflag:s0] =	ssyncadd.s32 $0xFFFFA800  }
0x6b: {  	[tilespmem:s24], [sflag:$0x6] =	stream.linear.gather [hbm4b:s8+s4], $0xB0, $0x38;
	[tilespmem:$0x1F400] =	vst v63  }
0x6c: {  	_ =	swait.ge [sflag:s20], $0xB0  }
0x6d: {  	[sflag:s20] =	ssyncset.done $0x0  }
.Ltmp0:
0x6e: {  	s8 =	sadd.s32 s10, s16;
	[sflag:s20] =	ssyncadd.s32 $0xFFFFFF50;
	(pc) =	sbr.rel @p0 .LBB2_2-.Ltmp0, $4  }
0x6f: {  	[tilespmem:s25], [sflag:$0x6] =	stream.linear.gather [hbm4b:s8+s4], $0xB0, $0x38;
	[tilespmem:$0x1F400] =	vst v63  }
0x70: {  	_ =	swait.ge [sflag:s20], $0xB0  }
0x71: {  	[sflag:s20] =	ssyncset.done $0x0  }
0x72: {  	s9 =	sadd.s32 $0x160, s9;
	[sflag:s20] =	ssyncadd.s32 $0xFFFFFF50  }
0x73: {  	[tilespmem:s26], [sflag:$0x2] =	stream.indirect.gather [hbm4b:s5+s22], $0x80, s24, s22, $0xb8;
	[tilespmem:$0x1F400] =	vst v63  }
0x74: {  	_ =	swait.ge [sflag:s29], $0x5800  }
0x75: {  	[sflag:s29] =	ssyncset.done $0x0  }
0x76: {  	[sflag:s29] =	ssyncadd.s32 $0xFFFFA800  }
0x77: {  	[spmem:s2] =	stream.indirect.scatter.add.f32 [tilespmem:s23], [sflag:$0x3], $0x80, s21, s22, $0xb8;
	[tilespmem:$0x1F400] =	vst v63  }
0x78: {  	_ =	swait.ge [sflag:s30], $0x5800  }
0x79: {  	[sflag:s30] =	ssyncset.done $0x0  }
0x7a: {  	[sflag:s30] =	ssyncadd.s32 $0xFFFFA800  }
0x7b: {  	[spmem:s2] =	stream.indirect.scatter.add.f32 [tilespmem:s26], [sflag:$0x4], $0x80, s25, s22, $0xb8;
	[tilespmem:$0x1F400] =	vst v63  }
0x7c: {  	_ =	swait.ge [sflag:s31], $0x5800  }
0x7d: {  	[sflag:s31] =	ssyncset.done $0x0  }
0x7e: {  	[sflag:s31] =	ssyncadd.s32 $0xFFFFA800  }
0x7f: {  	_ =	swait.ge [sflag:s0], $0x5800  }
0x80: {  	[sflag:s0] =	ssyncset.done $0x0  }
0x81: {  	[sflag:s0] =	ssyncadd.s32 $0xFFFFA800  }
0x82: {  	s3 =	sadd.s32 $0x1, s3;
	[bflag:$0x0] =	sbarrier.arrive $0xFFFF  }
0x83: {  	p0 =	sne.s32 s3, s15;
	s7 =	rddreg [dreg:$0x5]  }
.Ltmp1:
0x84: {  	s7 =	sor.u32 $0x1C06, s7;
	(pc) =	sbr.rel @p0 .LBB2_1-.Ltmp1, $4  }
0x85: {  	[hbm:s14], [sflag:s7] =	dma.local [spmem:s19], $0x2800  }
0x86: {  	_ =	swait.ge [sflag:s20], $0x2800  }
0x87: {  	[sflag:s20] =	ssyncset.done $0x0  }
0x88: {  	[sflag:s20] =	ssyncadd.s32 $0xFFFFD800  }
0x89: {  	_ =	sfence.sel $0x180000  }
0x8a: {  	[bflag:$0x0] =	sbarrier.arrive $0xFFFF  }
0x8b: {  	_ =	strace $0x9000004A  }
0x8c: {  	s0 =	stileid.u32;
	[bflag:$0x2] =	sbarrier.arrive $0xFFFF  }
0x8d: {  	p0 =	sne.s32 s0, $0x0;
	s0 =	rddreg [dreg:$0x3]  }
0x8e: {  	s0 =	sadd.s32 @!p0 $0x100000, s0  }
0x8f: {  	[sflag:s0] =	ssyncadd.tile.s32 @!p0 $0x1;
	_ =	shalt  }
.Lfunc_end2:
_tile_overlayer_lowered:
.L_overlay_start_2:
0x90: {  	(tag) =	ssettag $0x2  }
0x91: {  	s0 =	rddreg [dreg:$0x0];
	s2 =	stileid.u32  }
0x92: {  	s1 =	rddreg [dreg:$0x1];
	p0 =	sne.s32 s2, $0x0  }
0x93: {  	s3 =	rddreg [dreg:$0x2];
	[bflag:$0x3] =	sbarrier.arrive $0xFFFF;
	s2 =	simm.s32 @!p0 $0x1C06  }
0x94: {  	[timem:s3], [sflag:s2] =	dma.local @!p0 [hbm:s0], s1  }
0x95: {  	s0 =	simm.s32 @!p0 $0x6  }
0x96: {  	_ =	swait.ge @!p0 [sflag:s0], s1  }
0x97: {  	s1 =	ssub.s32 @!p0 $0x0, s1;
	[sflag:s0] =	ssyncset.done @!p0 $0x0  }
0x98: {  	[sflag:s0] =	ssyncadd.s32 @!p0 s1  }
0x99: {  	[bflag:$0x3] =	sbarrier.arrive $0xFFFF  }
0x9a: {  	_ =	shalt  }

</sc_bundles>
